<compile_context>
chip_gen: v7x
topology: tpu7x:2x2x1
jax: 0.10.2.dev20260603
libtpu: 0.0.44.dev20260713+nightly
codegen_flags: <defaults>
</compile_context>

<pallas_src>
import functools

import jax
import jax.numpy as jnp
from jax import lax
from jax.experimental import pallas as pl
from jax.experimental.pallas import tpu as pltpu
from jax.experimental.pallas import tpu_sc as plsc

VOCAB = 1000000
HIDDEN = 32
NUM_LAYERS = 3
BATCH = 16384
EMB_DIM = HIDDEN * NUM_LAYERS

_INFO = plsc.get_sparse_core_info()
_NC = _INFO.num_cores
_NS = _INFO.num_subcores
_NW = _NC * _NS
_B_PER_W = BATCH // _NW
_HALF = _B_PER_W // 2
_NSEM = 2


def _gather_body(idx_hbm, emb1_hbm, emb2_hbm, out1_hbm, out2_hbm,
                 idx_v, rows1_v, rows2_v, sems1, sems2):
    wid = lax.axis_index("s") * _NC + lax.axis_index("c")
    base = wid * _B_PER_W
    pltpu.sync_copy(idx_hbm.at[pl.ds(base, _B_PER_W)], idx_v)

    for half in range(2):
        def issue(v, _):
            vec = idx_v[pl.ds(half * _HALF + v * 16, 16)]
            for j in range(16):
                row = vec[j]
                i = v * 16 + j
                s = j % _NSEM
                pltpu.async_copy(
                    emb1_hbm.at[pl.ds(row, 1), :], rows1_v.at[pl.ds(i, 1), :],
                    sems1.at[s])
                pltpu.async_copy(
                    emb2_hbm.at[pl.ds(row, 1), :], rows2_v.at[pl.ds(i, 1), :],
                    sems2.at[s])
            return ()

        lax.fori_loop(0, _HALF // 16, issue, ())
        per_sem = _HALF // _NSEM
        for s in range(_NSEM):
            pltpu.make_async_copy(
                emb1_hbm.at[pl.ds(0, per_sem), :],
                rows1_v.at[pl.ds(0, per_sem), :], sems1.at[s]).wait()
            pltpu.make_async_copy(
                emb2_hbm.at[pl.ds(0, per_sem), :],
                rows2_v.at[pl.ds(0, per_sem), :], sems2.at[s]).wait()
        out_base = base + half * _HALF
        pltpu.sync_copy(rows1_v, out1_hbm.at[pl.ds(out_base, _HALF), :])
        pltpu.sync_copy(rows2_v, out2_hbm.at[pl.ds(out_base, _HALF), :])


_gather2 = functools.partial(
    pl.kernel,
    mesh=plsc.VectorSubcoreMesh(core_axis_name="c", subcore_axis_name="s"),
    out_type=(
        jax.ShapeDtypeStruct((BATCH, EMB_DIM), jnp.float32),
        jax.ShapeDtypeStruct((BATCH, EMB_DIM), jnp.float32),
    ),
    scratch_types=[
        pltpu.VMEM((_B_PER_W,), jnp.int32),
        pltpu.VMEM((_HALF, EMB_DIM), jnp.float32),
        pltpu.VMEM((_HALF, EMB_DIM), jnp.float32),
        pltpu.SemaphoreType.DMA((_NSEM,)),
        pltpu.SemaphoreType.DMA((_NSEM,)),
    ],
)(_gather_body)


def kernel(x_input, emb1, emb2):
    idx = x_input.astype(jnp.int32)
    out1, out2 = _gather2(idx, emb1, emb2)
    hc = out1.reshape(NUM_LAYERS, -1, HIDDEN)
    hx = out2.reshape(NUM_LAYERS, -1, HIDDEN)
    return (hc, hx)

# --- scband reference (transcript-rebuilt; emitter-appended) ---
"""Pipeline reference for scband-entity-encoder-34617436406452 (READ-ONLY COPY).

The authoritative reference and input builder live on the scoring server;
editing this copy changes nothing except your own understanding.
"""

import jax, jax.numpy as jnp
import numpy as np

VOCAB = 1000000
HIDDEN = 32
NUM_LAYERS = 3
BATCH = 16384
EMB_DIM = HIDDEN * NUM_LAYERS


def setup_inputs(seed: int = 0) -> dict:
    key = jax.random.key(seed)
    k1, k2, k3 = jax.random.split(key, 3)
    x_input = jax.random.randint(k1, (BATCH,), 0, VOCAB, dtype=jnp.int64 if jax.config.jax_enable_x64 else jnp.int32)
    emb1 = jax.random.normal(k2, (VOCAB, EMB_DIM), dtype=jnp.float32)
    emb2 = jax.random.normal(k3, (VOCAB, EMB_DIM), dtype=jnp.float32)
    return {"x_input": x_input, "emb1": emb1, "emb2": emb2}


def reference(x_input, emb1, emb2):
    # hc = embedding1(x).view(num_layers, -1, hidden_size)
    hc = jnp.take(emb1, x_input, axis=0).reshape(NUM_LAYERS, -1, HIDDEN)
    # hx = embedding2(x).view(num_layers, -1, hidden_size)
    hx = jnp.take(emb2, x_input, axis=0).reshape(NUM_LAYERS, -1, HIDDEN)
    return (hc, hx)

if __name__ == "__main__":
    import jax
    _d = setup_inputs()
    print(jax.jit(kernel)(*tuple(_d.values())))

</pallas_src>

<mosaic_0001>
#map = affine_map<(d0, d1) -> (0)>
#map1 = affine_map<(d0, d1) -> (0, 0)>
module attributes {stable_mosaic.version = 14 : i64} {
  func.func @_gather_body(%arg0: i32, %arg1: i32, %arg2: memref<16384xi32, #tpu.memory_space<hbm>>, %arg3: memref<1000000x96xf32, #tpu.memory_space<hbm>>, %arg4: memref<1000000x96xf32, #tpu.memory_space<hbm>>, %arg5: memref<16384x96xf32, #tpu.memory_space<hbm>>, %arg6: memref<16384x96xf32, #tpu.memory_space<hbm>>, %arg7: memref<512xi32, #tpu.memory_space<vmem>>, %arg8: memref<256x96xf32, #tpu.memory_space<vmem>>, %arg9: memref<256x96xf32, #tpu.memory_space<vmem>>, %arg10: memref<2x!tpu.dma_semaphore, #tpu.memory_space<semaphore_mem>>, %arg11: memref<2x!tpu.dma_semaphore, #tpu.memory_space<semaphore_mem>>) attributes {dimension_semantics = [#tpu.dimension_semantics<core_parallel>, #tpu.dimension_semantics<subcore_parallel>], iteration_bounds = array<i64: 2, 16>, scalar_prefetch = 0 : i64, scratch_operands = 5 : i64, tpu.core_type = #tpu.core_type<sc_vector_subcore>, window_params = [{transform_indices = #map}, {transform_indices = #map1}, {transform_indices = #map1}, {transform_indices = #map1}, {transform_indices = #map1}]} {
    %mul3A = arith.constant 2 : i32
    %mul3A_0 = arith.muli %arg1, %mul3A : i32
    %add3A = arith.addi %mul3A_0, %arg0 : i32
    %mul3A_1 = arith.constant 512 : i32
    %mul3A_2 = arith.muli %add3A, %mul3A_1 : i32
    "tpu.region"() ({
      %run_scoped3A = tpu.sem_alloc : memref<!tpu.dma_semaphore, #tpu.memory_space<semaphore_mem>>
      %dma_start3A = tpu.memref_slice %arg2[%mul3A_2] : memref<16384xi32, #tpu.memory_space<hbm>> -> memref<512xi32, #tpu.memory_space<hbm>>
      %dma_start3A_135 = tpu.memref_slice %arg2[%mul3A_2] : memref<16384xi32, #tpu.memory_space<hbm>> -> memref<512xi32, #tpu.memory_space<hbm>>
      tpu.enqueue_dma source(%dma_start3A_135 : memref<512xi32, #tpu.memory_space<hbm>>) target(%arg7 : memref<512xi32, #tpu.memory_space<vmem>>) target_semaphore(%run_scoped3A : memref<!tpu.dma_semaphore, #tpu.memory_space<semaphore_mem>>)
      %dma_wait3A_136 = tpu.memref_slice %arg2[%mul3A_2] : memref<16384xi32, #tpu.memory_space<hbm>> -> memref<512xi32, #tpu.memory_space<hbm>>
      %dma_wait3A_137 = tpu.memref_slice %arg2[%mul3A_2] : memref<16384xi32, #tpu.memory_space<hbm>> -> memref<512xi32, #tpu.memory_space<hbm>>
      tpu.wait_dma2 semaphore(%run_scoped3A : memref<!tpu.dma_semaphore, #tpu.memory_space<semaphore_mem>>) src(%dma_wait3A_137 : memref<512xi32, #tpu.memory_space<hbm>>) dst(%arg7 : memref<512xi32, #tpu.memory_space<vmem>>)
      tpu.yield
    }) : () -> ()
    %scan3A = arith.constant 0 : i32
    %scan3A_3 = arith.constant 16 : i32
    %scan3A_4 = arith.addi %scan3A, %scan3A_3 : i32
    %scan3A_5 = arith.constant 1 : i32
    scf.for %scan3A_135 = %scan3A to %scan3A_4 step %scan3A_5  : i32 {
      %mul3A_136 = arith.constant 16 : i32
      %mul3A_137 = arith.muli %scan3A_135, %mul3A_136 : i32
      %add3A_138 = arith.constant 0 : i32
      %add3A_139 = arith.addi %add3A_138, %mul3A_137 : i32
      %get3A = arith.index_cast %add3A_139 : i32 to index
      %get3A_140 = tpu.vector_load %arg7[%get3A] {strides = array<i32>} : memref<512xi32, #tpu.memory_space<vmem>>, vector<16xi32>,
      %get3A_141 = vector.shape_cast %get3A_140 : vector<16xi32> to vector<16xi32>
      %slice3A = vector.extract_strided_slice %get3A_141 {offsets = [0], sizes = [1], strides = [1]} : vector<16xi32> to vector<1xi32>
      %squeeze3A = vector.extract %slice3A[0] : i32 from vector<1xi32>
      %mul3A_142 = arith.constant 16 : i32
      %mul3A_143 = arith.muli %scan3A_135, %mul3A_142 : i32
      %add3A_144 = arith.constant 0 : i32
      %add3A_145 = arith.addi %mul3A_143, %add3A_144 : i32
      %dma_start3A = arith.constant 0 : i32
      %dma_start3A_146 = arith.constant 0 : i32
      %dma_start3A_147 = tpu.memref_slice %arg8[%add3A_145, %dma_start3A_146] : memref<256x96xf32, #tpu.memory_space<vmem>> -> memref<1x96xf32, #tpu.memory_space<vmem>>
      %dma_start3A_148 = arith.constant 0 : i32
      %dma_start3A_149 = tpu.memref_slice %arg3[%squeeze3A, %dma_start3A_148] : memref<1000000x96xf32, #tpu.memory_space<hbm>> -> memref<1x96xf32, #tpu.memory_space<hbm>>
      %dma_start3A_150 = tpu.memref_slice %arg10[%dma_start3A] : memref<2x!tpu.dma_semaphore, #tpu.memory_space<semaphore_mem>> -> memref<1x!tpu.dma_semaphore, #tpu.memory_space<semaphore_mem>>
      %dma_start3A_151 = tpu.memref_squeeze %dma_start3A_150 : memref<1x!tpu.dma_semaphore, #tpu.memory_space<semaphore_mem>> -> memref<!tpu.dma_semaphore, #tpu.memory_space<semaphore_mem>>
      %dma_start3A_152 = arith.constant 0 : i32
      %dma_start3A_153 = tpu.memref_slice %arg8[%add3A_145, %dma_start3A_152] : memref<256x96xf32, #tpu.memory_space<vmem>> -> memref<1x96xf32, #tpu.memory_space<vmem>>
      %dma_start3A_154 = arith.constant 0 : i32
      %dma_start3A_155 = tpu.memref_slice %arg3[%squeeze3A, %dma_start3A_154] : memref<1000000x96xf32, #tpu.memory_space<hbm>> -> memref<1x96xf32, #tpu.memory_space<hbm>>
      tpu.enqueue_dma source(%dma_start3A_155 : memref<1x96xf32, #tpu.memory_space<hbm>>) target(%dma_start3A_153 : memref<1x96xf32, #tpu.memory_space<vmem>>) target_semaphore(%dma_start3A_151 : memref<!tpu.dma_semaphore, #tpu.memory_space<semaphore_mem>>)
      %dma_start3A_156 = arith.constant 0 : i32
      %dma_start3A_157 = arith.constant 0 : i32
      %dma_start3A_158 = tpu.memref_slice %arg9[%add3A_145, %dma_start3A_157] : memref<256x96xf32, #tpu.memory_space<vmem>> -> memref<1x96xf32, #tpu.memory_space<vmem>>
      %dma_start3A_159 = arith.constant 0 : i32
      %dma_start3A_160 = tpu.memref_slice %arg4[%squeeze3A, %dma_start3A_159] : memref<1000000x96xf32, #tpu.memory_space<hbm>> -> memref<1x96xf32, #tpu.memory_space<hbm>>
      %dma_start3A_161 = tpu.memref_slice %arg11[%dma_start3A_156] : memref<2x!tpu.dma_semaphore, #tpu.memory_space<semaphore_mem>> -> memref<1x!tpu.dma_semaphore, #tpu.memory_space<semaphore_mem>>
      %dma_start3A_162 = tpu.memref_squeeze %dma_start3A_161 : memref<1x!tpu.dma_semaphore, #tpu.memory_space<semaphore_mem>> -> memref<!tpu.dma_semaphore, #tpu.memory_space<semaphore_mem>>
      %dma_start3A_163 = arith.constant 0 : i32
      %dma_start3A_164 = tpu.memref_slice %arg9[%add3A_145, %dma_start3A_163] : memref<256x96xf32, #tpu.memory_space<vmem>> -> memref<1x96xf32, #tpu.memory_space<vmem>>
      %dma_start3A_165 = arith.constant 0 : i32
      %dma_start3A_166 = tpu.memref_slice %arg4[%squeeze3A, %dma_start3A_165] : memref<1000000x96xf32, #tpu.memory_space<hbm>> -> memref<1x96xf32, #tpu.memory_space<hbm>>
      tpu.enqueue_dma source(%dma_start3A_166 : memref<1x96xf32, #tpu.memory_space<hbm>>) target(%dma_start3A_164 : memref<1x96xf32, #tpu.memory_space<vmem>>) target_semaphore(%dma_start3A_162 : memref<!tpu.dma_semaphore, #tpu.memory_space<semaphore_mem>>)
      %slice3A_167 = vector.extract_strided_slice %get3A_141 {offsets = [1], sizes = [1], strides = [1]} : vector<16xi32> to vector<1xi32>
      %squeeze3A_168 = vector.extract %slice3A_167[0] : i32 from vector<1xi32>
      %mul3A_169 = arith.constant 16 : i32
      %mul3A_170 = arith.muli %scan3A_135, %mul3A_169 : i32
      %add3A_171 = arith.constant 1 : i32
      %add3A_172 = arith.addi %mul3A_170, %add3A_171 : i32
      %dma_start3A_173 = arith.constant 1 : i32
      %dma_start3A_174 = arith.constant 0 : i32
      %dma_start3A_175 = tpu.memref_slice %arg8[%add3A_172, %dma_start3A_174] : memref<256x96xf32, #tpu.memory_space<vmem>> -> memref<1x96xf32, #tpu.memory_space<vmem>>
      %dma_start3A_176 = arith.constant 0 : i32
      %dma_start3A_177 = tpu.memref_slice %arg3[%squeeze3A_168, %dma_start3A_176] : memref<1000000x96xf32, #tpu.memory_space<hbm>> -> memref<1x96xf32, #tpu.memory_space<hbm>>
      %dma_start3A_178 = tpu.memref_slice %arg10[%dma_start3A_173] : memref<2x!tpu.dma_semaphore, #tpu.memory_space<semaphore_mem>> -> memref<1x!tpu.dma_semaphore, #tpu.memory_space<semaphore_mem>>
      %dma_start3A_179 = tpu.memref_squeeze %dma_start3A_178 : memref<1x!tpu.dma_semaphore, #tpu.memory_space<semaphore_mem>> -> memref<!tpu.dma_semaphore, #tpu.memory_space<semaphore_mem>>
      %dma_start3A_180 = arith.constant 0 : i32
      %dma_start3A_181 = tpu.memref_slice %arg8[%add3A_172, %dma_start3A_180] : memref<256x96xf32, #tpu.memory_space<vmem>> -> memref<1x96xf32, #tpu.memory_space<vmem>>
      %dma_start3A_182 = arith.constant 0 : i32
      %dma_start3A_183 = tpu.memref_slice %arg3[%squeeze3A_168, %dma_start3A_182] : memref<1000000x96xf32, #tpu.memory_space<hbm>> -> memref<1x96xf32, #tpu.memory_space<hbm>>
      tpu.enqueue_dma source(%dma_start3A_183 : memref<1x96xf32, #tpu.memory_space<hbm>>) target(%dma_start3A_181 : memref<1x96xf32, #tpu.memory_space<vmem>>) target_semaphore(%dma_start3A_179 : memref<!tpu.dma_semaphore, #tpu.memory_space<semaphore_mem>>)
      %dma_start3A_184 = arith.constant 1 : i32
      %dma_start3A_185 = arith.constant 0 : i32
      %dma_start3A_186 = tpu.memref_slice %arg9[%add3A_172, %dma_start3A_185] : memref<256x96xf32, #tpu.memory_space<vmem>> -> memref<1x96xf32, #tpu.memory_space<vmem>>
      %dma_start3A_187 = arith.constant 0 : i32
      %dma_start3A_188 = tpu.memref_slice %arg4[%squeeze3A_168, %dma_start3A_187] : memref<1000000x96xf32, #tpu.memory_space<hbm>> -> memref<1x96xf32, #tpu.memory_space<hbm>>
      %dma_start3A_189 = tpu.memref_slice %arg11[%dma_start3A_184] : memref<2x!tpu.dma_semaphore, #tpu.memory_space<semaphore_mem>> -> memref<1x!tpu.dma_semaphore, #tpu.memory_space<semaphore_mem>>
      %dma_start3A_190 = tpu.memref_squeeze %dma_start3A_189 : memref<1x!tpu.dma_semaphore, #tpu.memory_space<semaphore_mem>> -> memref<!tpu.dma_semaphore, #tpu.memory_space<semaphore_mem>>
      %dma_start3A_191 = arith.constant 0 : i32
      %dma_start3A_192 = tpu.memref_slice %arg9[%add3A_172, %dma_start3A_191] : memref<256x96xf32, #tpu.memory_space<vmem>> -> memref<1x96xf32, #tpu.memory_space<vmem>>
      %dma_start3A_193 = arith.constant 0 : i32
      %dma_start3A_194 = tpu.memref_slice %arg4[%squeeze3A_168, %dma_start3A_193] : memref<1000000x96xf32, #tpu.memory_space<hbm>> -> memref<1x96xf32, #tpu.memory_space<hbm>>
      tpu.enqueue_dma source(%dma_start3A_194 : memref<1x96xf32, #tpu.memory_space<hbm>>) target(%dma_start3A_192 : memref<1x96xf32, #tpu.memory_space<vmem>>) target_semaphore(%dma_start3A_190 : memref<!tpu.dma_semaphore, #tpu.memory_space<semaphore_mem>>)
      %slice3A_195 = vector.extract_strided_slice %get3A_141 {offsets = [2], sizes = [1], strides = [1]} : vector<16xi32> to vector<1xi32>
      %squeeze3A_196 = vector.extract %slice3A_195[0] : i32 from vector<1xi32>
      %mul3A_197 = arith.constant 16 : i32
      %mul3A_198 = arith.muli %scan3A_135, %mul3A_197 : i32
      %add3A_199 = arith.constant 2 : i32
      %add3A_200 = arith.addi %mul3A_198, %add3A_199 : i32
      %dma_start3A_201 = arith.constant 0 : i32
      %dma_start3A_202 = arith.constant 0 : i32
      %dma_start3A_203 = tpu.memref_slice %arg8[%add3A_200, %dma_start3A_202] : memref<256x96xf32, #tpu.memory_space<vmem>> -> memref<1x96xf32, #tpu.memory_space<vmem>>
      %dma_start3A_204 = arith.constant 0 : i32
      %dma_start3A_205 = tpu.memref_slice %arg3[%squeeze3A_196, %dma_start3A_204] : memref<1000000x96xf32, #tpu.memory_space<hbm>> -> memref<1x96xf32, #tpu.memory_space<hbm>>
      %dma_start3A_206 = tpu.memref_slice %arg10[%dma_start3A_201] : memref<2x!tpu.dma_semaphore, #tpu.memory_space<semaphore_mem>> -> memref<1x!tpu.dma_semaphore, #tpu.memory_space<semaphore_mem>>
      %dma_start3A_207 = tpu.memref_squeeze %dma_start3A_206 : memref<1x!tpu.dma_semaphore, #tpu.memory_space<semaphore_mem>> -> memref<!tpu.dma_semaphore, #tpu.memory_space<semaphore_mem>>
      %dma_start3A_208 = arith.constant 0 : i32
      %dma_start3A_209 = tpu.memref_slice %arg8[%add3A_200, %dma_start3A_208] : memref<256x96xf32, #tpu.memory_space<vmem>> -> memref<1x96xf32, #tpu.memory_space<vmem>>
      %dma_start3A_210 = arith.constant 0 : i32
      %dma_start3A_211 = tpu.memref_slice %arg3[%squeeze3A_196, %dma_start3A_210] : memref<1000000x96xf32, #tpu.memory_space<hbm>> -> memref<1x96xf32, #tpu.memory_space<hbm>>
      tpu.enqueue_dma source(%dma_start3A_211 : memref<1x96xf32, #tpu.memory_space<hbm>>) target(%dma_start3A_209 : memref<1x96xf32, #tpu.memory_space<vmem>>) target_semaphore(%dma_start3A_207 : memref<!tpu.dma_semaphore, #tpu.memory_space<semaphore_mem>>)
      %dma_start3A_212 = arith.constant 0 : i32
      %dma_start3A_213 = arith.constant 0 : i32
      %dma_start3A_214 = tpu.memref_slice %arg9[%add3A_200, %dma_start3A_213] : memref<256x96xf32, #tpu.memory_space<vmem>> -> memref<1x96xf32, #tpu.memory_space<vmem>>
      %dma_start3A_215 = arith.constant 0 : i32
      %dma_start3A_216 = tpu.memref_slice %arg4[%squeeze3A_196, %dma_start3A_215] : memref<1000000x96xf32, #tpu.memory_space<hbm>> -> memref<1x96xf32, #tpu.memory_space<hbm>>
      %dma_start3A_217 = tpu.memref_slice %arg11[%dma_start3A_212] : memref<2x!tpu.dma_semaphore, #tpu.memory_space<semaphore_mem>> -> memref<1x!tpu.dma_semaphore, #tpu.memory_space<semaphore_mem>>
      %dma_start3A_218 = tpu.memref_squeeze %dma_start3A_217 : memref<1x!tpu.dma_semaphore, #tpu.memory_space<semaphore_mem>> -> memref<!tpu.dma_semaphore, #tpu.memory_space<semaphore_mem>>
      %dma_start3A_219 = arith.constant 0 : i32
      %dma_start3A_220 = tpu.memref_slice %arg9[%add3A_200, %dma_start3A_219] : memref<256x96xf32, #tpu.memory_space<vmem>> -> memref<1x96xf32, #tpu.memory_space<vmem>>
      %dma_start3A_221 = arith.constant 0 : i32
      %dma_start3A_222 = tpu.memref_slice %arg4[%squeeze3A_196, %dma_start3A_221] : memref<1000000x96xf32, #tpu.memory_space<hbm>> -> memref<1x96xf32, #tpu.memory_space<hbm>>
      tpu.enqueue_dma source(%dma_start3A_222 : memref<1x96xf32, #tpu.memory_space<hbm>>) target(%dma_start3A_220 : memref<1x96xf32, #tpu.memory_space<vmem>>) target_semaphore(%dma_start3A_218 : memref<!tpu.dma_semaphore, #tpu.memory_space<semaphore_mem>>)
      %slice3A_223 = vector.extract_strided_slice %get3A_141 {offsets = [3], sizes = [1], strides = [1]} : vector<16xi32> to vector<1xi32>
      %squeeze3A_224 = vector.extract %slice3A_223[0] : i32 from vector<1xi32>
      %mul3A_225 = arith.constant 16 : i32
      %mul3A_226 = arith.muli %scan3A_135, %mul3A_225 : i32
      %add3A_227 = arith.constant 3 : i32
      %add3A_228 = arith.addi %mul3A_226, %add3A_227 : i32
      %dma_start3A_229 = arith.constant 1 : i32
      %dma_start3A_230 = arith.constant 0 : i32
      %dma_start3A_231 = tpu.memref_slice %arg8[%add3A_228, %dma_start3A_230] : memref<256x96xf32, #tpu.memory_space<vmem>> -> memref<1x96xf32, #tpu.memory_space<vmem>>
      %dma_start3A_232 = arith.constant 0 : i32
      %dma_start3A_233 = tpu.memref_slice %arg3[%squeeze3A_224, %dma_start3A_232] : memref<1000000x96xf32, #tpu.memory_space<hbm>> -> memref<1x96xf32, #tpu.memory_space<hbm>>
      %dma_start3A_234 = tpu.memref_slice %arg10[%dma_start3A_229] : memref<2x!tpu.dma_semaphore, #tpu.memory_space<semaphore_mem>> -> memref<1x!tpu.dma_semaphore, #tpu.memory_space<semaphore_mem>>
      %dma_start3A_235 = tpu.memref_squeeze %dma_start3A_234 : memref<1x!tpu.dma_semaphore, #tpu.memory_space<semaphore_mem>> -> memref<!tpu.dma_semaphore, #tpu.memory_space<semaphore_mem>>
      %dma_start3A_236 = arith.constant 0 : i32
      %dma_start3A_237 = tpu.memref_slice %arg8[%add3A_228, %dma_start3A_236] : memref<256x96xf32, #tpu.memory_space<vmem>> -> memref<1x96xf32, #tpu.memory_space<vmem>>
      %dma_start3A_238 = arith.constant 0 : i32
      %dma_start3A_239 = tpu.memref_slice %arg3[%squeeze3A_224, %dma_start3A_238] : memref<1000000x96xf32, #tpu.memory_space<hbm>> -> memref<1x96xf32, #tpu.memory_space<hbm>>
      tpu.enqueue_dma source(%dma_start3A_239 : memref<1x96xf32, #tpu.memory_space<hbm>>) target(%dma_start3A_237 : memref<1x96xf32, #tpu.memory_space<vmem>>) target_semaphore(%dma_start3A_235 : memref<!tpu.dma_semaphore, #tpu.memory_space<semaphore_mem>>)
      %dma_start3A_240 = arith.constant 1 : i32
      %dma_start3A_241 = arith.constant 0 : i32
      %dma_start3A_242 = tpu.memref_slice %arg9[%add3A_228, %dma_start3A_241] : memref<256x96xf32, #tpu.memory_space<vmem>> -> memref<1x96xf32, #tpu.memory_space<vmem>>
      %dma_start3A_243 = arith.constant 0 : i32
      %dma_start3A_244 = tpu.memref_slice %arg4[%squeeze3A_224, %dma_start3A_243] : memref<1000000x96xf32, #tpu.memory_space<hbm>> -> memref<1x96xf32, #tpu.memory_space<hbm>>
      %dma_start3A_245 = tpu.memref_slice %arg11[%dma_start3A_240] : memref<2x!tpu.dma_semaphore, #tpu.memory_space<semaphore_mem>> -> memref<1x!tpu.dma_semaphore, #tpu.memory_space<semaphore_mem>>
      %dma_start3A_246 = tpu.memref_squeeze %dma_start3A_245 : memref<1x!tpu.dma_semaphore, #tpu.memory_space<semaphore_mem>> -> memref<!tpu.dma_semaphore, #tpu.memory_space<semaphore_mem>>
      %dma_start3A_247 = arith.constant 0 : i32
      %dma_start3A_248 = tpu.memref_slice %arg9[%add3A_228, %dma_start3A_247] : memref<256x96xf32, #tpu.memory_space<vmem>> -> memref<1x96xf32, #tpu.memory_space<vmem>>
      %dma_start3A_249 = arith.constant 0 : i32
      %dma_start3A_250 = tpu.memref_slice %arg4[%squeeze3A_224, %dma_start3A_249] : memref<1000000x96xf32, #tpu.memory_space<hbm>> -> memref<1x96xf32, #tpu.memory_space<hbm>>
      tpu.enqueue_dma source(%dma_start3A_250 : memref<1x96xf32, #tpu.memory_space<hbm>>) target(%dma_start3A_248 : memref<1x96xf32, #tpu.memory_space<vmem>>) target_semaphore(%dma_start3A_246 : memref<!tpu.dma_semaphore, #tpu.memory_space<semaphore_mem>>)
      %slice3A_251 = vector.extract_strided_slice %get3A_141 {offsets = [4], sizes = [1], strides = [1]} : vector<16xi32> to vector<1xi32>
      %squeeze3A_252 = vector.extract %slice3A_251[0] : i32 from vector<1xi32>
      %mul3A_253 = arith.constant 16 : i32
      %mul3A_254 = arith.muli %scan3A_135, %mul3A_253 : i32
      %add3A_255 = arith.constant 4 : i32
      %add3A_256 = arith.addi %mul3A_254, %add3A_255 : i32
      %dma_start3A_257 = arith.constant 0 : i32
      %dma_start3A_258 = arith.constant 0 : i32
      %dma_start3A_259 = tpu.memref_slice %arg8[%add3A_256, %dma_start3A_258] : memref<256x96xf32, #tpu.memory_space<vmem>> -> memref<1x96xf32, #tpu.memory_space<vmem>>
      %dma_start3A_260 = arith.constant 0 : i32
      %dma_start3A_261 = tpu.memref_slice %arg3[%squeeze3A_252, %dma_start3A_260] : memref<1000000x96xf32, #tpu.memory_space<hbm>> -> memref<1x96xf32, #tpu.memory_space<hbm>>
      %dma_start3A_262 = tpu.memref_slice %arg10[%dma_start3A_257] : memref<2x!tpu.dma_semaphore, #tpu.memory_space<semaphore_mem>> -> memref<1x!tpu.dma_semaphore, #tpu.memory_space<semaphore_mem>>
      %dma_start3A_263 = tpu.memref_squeeze %dma_start3A_262 : memref<1x!tpu.dma_semaphore, #tpu.memory_space<semaphore_mem>> -> memref<!tpu.dma_semaphore, #tpu.memory_space<semaphore_mem>>
      %dma_start3A_264 = arith.constant 0 : i32
      %dma_start3A_265 = tpu.memref_slice %arg8[%add3A_256, %dma_start3A_264] : memref<256x96xf32, #tpu.memory_space<vmem>> -> memref<1x96xf32, #tpu.memory_space<vmem>>
      %dma_start3A_266 = arith.constant 0 : i32
      %dma_start3A_267 = tpu.memref_slice %arg3[%squeeze3A_252, %dma_start3A_266] : memref<1000000x96xf32, #tpu.memory_space<hbm>> -> memref<1x96xf32, #tpu.memory_space<hbm>>
      tpu.enqueue_dma source(%dma_start3A_267 : memref<1x96xf32, #tpu.memory_space<hbm>>) target(%dma_start3A_265 : memref<1x96xf32, #tpu.memory_space<vmem>>) target_semaphore(%dma_start3A_263 : memref<!tpu.dma_semaphore, #tpu.memory_space<semaphore_mem>>)
      %dma_start3A_268 = arith.constant 0 : i32
      %dma_start3A_269 = arith.constant 0 : i32
      %dma_start3A_270 = tpu.memref_slice %arg9[%add3A_256, %dma_start3A_269] : memref<256x96xf32, #tpu.memory_space<vmem>> -> memref<1x96xf32, #tpu.memory_space<vmem>>
      %dma_start3A_271 = arith.constant 0 : i32
      %dma_start3A_272 = tpu.memref_slice %arg4[%squeeze3A_252, %dma_start3A_271] : memref<1000000x96xf32, #tpu.memory_space<hbm>> -> memref<1x96xf32, #tpu.memory_space<hbm>>
      %dma_start3A_273 = tpu.memref_slice %arg11[%dma_start3A_268] : memref<2x!tpu.dma_semaphore, #tpu.memory_space<semaphore_mem>> -> memref<1x!tpu.dma_semaphore, #tpu.memory_space<semaphore_mem>>
      %dma_start3A_274 = tpu.memref_squeeze %dma_start3A_273 : memref<1x!tpu.dma_semaphore, #tpu.memory_space<semaphore_mem>> -> memref<!tpu.dma_semaphore, #tpu.memory_space<semaphore_mem>>
      %dma_start3A_275 = arith.constant 0 : i32
      %dma_start3A_276 = tpu.memref_slice %arg9[%add3A_256, %dma_start3A_275] : memref<256x96xf32, #tpu.memory_space<vmem>> -> memref<1x96xf32, #tpu.memory_space<vmem>>
      %dma_start3A_277 = arith.constant 0 : i32
      %dma_start3A_278 = tpu.memref_slice %arg4[%squeeze3A_252, %dma_start3A_277] : memref<1000000x96xf32, #tpu.memory_space<hbm>> -> memref<1x96xf32, #tpu.memory_space<hbm>>
      tpu.enqueue_dma source(%dma_start3A_278 : memref<1x96xf32, #tpu.memory_space<hbm>>) target(%dma_start3A_276 : memref<1x96xf32, #tpu.memory_space<vmem>>) target_semaphore(%dma_start3A_274 : memref<!tpu.dma_semaphore, #tpu.memory_space<semaphore_mem>>)
      %slice3A_279 = vector.extract_strided_slice %get3A_141 {offsets = [5], sizes = [1], strides = [1]} : vector<16xi32> to vector<1xi32>
      %squeeze3A_280 = vector.extract %slice3A_279[0] : i32 from vector<1xi32>
      %mul3A_281 = arith.constant 16 : i32
      %mul3A_282 = arith.muli %scan3A_135, %mul3A_281 : i32
      %add3A_283 = arith.constant 5 : i32
      %add3A_284 = arith.addi %mul3A_282, %add3A_283 : i32
      %dma_start3A_285 = arith.constant 1 : i32
      %dma_start3A_286 = arith.constant 0 : i32
      %dma_start3A_287 = tpu.memref_slice %arg8[%add3A_284, %dma_start3A_286] : memref<256x96xf32, #tpu.memory_space<vmem>> -> memref<1x96xf32, #tpu.memory_space<vmem>>
      %dma_start3A_288 = arith.constant 0 : i32
      %dma_start3A_289 = tpu.memref_slice %arg3[%squeeze3A_280, %dma_start3A_288] : memref<1000000x96xf32, #tpu.memory_space<hbm>> -> memref<1x96xf32, #tpu.memory_space<hbm>>
      %dma_start3A_290 = tpu.memref_slice %arg10[%dma_start3A_285] : memref<2x!tpu.dma_semaphore, #tpu.memory_space<semaphore_mem>> -> memref<1x!tpu.dma_semaphore, #tpu.memory_space<semaphore_mem>>
      %dma_start3A_291 = tpu.memref_squeeze %dma_start3A_290 : memref<1x!tpu.dma_semaphore, #tpu.memory_space<semaphore_mem>> -> memref<!tpu.dma_semaphore, #tpu.memory_space<semaphore_mem>>
      %dma_start3A_292 = arith.constant 0 : i32
      %dma_start3A_293 = tpu.memref_slice %arg8[%add3A_284, %dma_start3A_292] : memref<256x96xf32, #tpu.memory_space<vmem>> -> memref<1x96xf32, #tpu.memory_space<vmem>>
      %dma_start3A_294 = arith.constant 0 : i32
      %dma_start3A_295 = tpu.memref_slice %arg3[%squeeze3A_280, %dma_start3A_294] : memref<1000000x96xf32, #tpu.memory_space<hbm>> -> memref<1x96xf32, #tpu.memory_space<hbm>>
      tpu.enqueue_dma source(%dma_start3A_295 : memref<1x96xf32, #tpu.memory_space<hbm>>) target(%dma_start3A_293 : memref<1x96xf32, #tpu.memory_space<vmem>>) target_semaphore(%dma_start3A_291 : memref<!tpu.dma_semaphore, #tpu.memory_space<semaphore_mem>>)
      %dma_start3A_296 = arith.constant 1 : i32
      %dma_start3A_297 = arith.constant 0 : i32
      %dma_start3A_298 = tpu.memref_slice %arg9[%add3A_284, %dma_start3A_297] : memref<256x96xf32, #tpu.memory_space<vmem>> -> memref<1x96xf32, #tpu.memory_space<vmem>>
      %dma_start3A_299 = arith.constant 0 : i32
      %dma_start3A_300 = tpu.memref_slice %arg4[%squeeze3A_280, %dma_start3A_299] : memref<1000000x96xf32, #tpu.memory_space<hbm>> -> memref<1x96xf32, #tpu.memory_space<hbm>>
      %dma_start3A_301 = tpu.memref_slice %arg11[%dma_start3A_296] : memref<2x!tpu.dma_semaphore, #tpu.memory_space<semaphore_mem>> -> memref<1x!tpu.dma_semaphore, #tpu.memory_space<semaphore_mem>>
      %dma_start3A_302 = tpu.memref_squeeze %dma_start3A_301 : memref<1x!tpu.dma_semaphore, #tpu.memory_space<semaphore_mem>> -> memref<!tpu.dma_semaphore, #tpu.memory_space<semaphore_mem>>
      %dma_start3A_303 = arith.constant 0 : i32
      %dma_start3A_304 = tpu.memref_slice %arg9[%add3A_284, %dma_start3A_303] : memref<256x96xf32, #tpu.memory_space<vmem>> -> memref<1x96xf32, #tpu.memory_space<vmem>>
      %dma_start3A_305 = arith.constant 0 : i32
      %dma_start3A_306 = tpu.memref_slice %arg4[%squeeze3A_280, %dma_start3A_305] : memref<1000000x96xf32, #tpu.memory_space<hbm>> -> memref<1x96xf32, #tpu.memory_space<hbm>>
      tpu.enqueue_dma source(%dma_start3A_306 : memref<1x96xf32, #tpu.memory_space<hbm>>) target(%dma_start3A_304 : memref<1x96xf32, #tpu.memory_space<vmem>>) target_semaphore(%dma_start3A_302 : memref<!tpu.dma_semaphore, #tpu.memory_space<semaphore_mem>>)
      %slice3A_307 = vector.extract_strided_slice %get3A_141 {offsets = [6], sizes = [1], strides = [1]} : vector<16xi32> to vector<1xi32>
      %squeeze3A_308 = vector.extract %slice3A_307[0] : i32 from vector<1xi32>
      %mul3A_309 = arith.constant 16 : i32
      %mul3A_310 = arith.muli %scan3A_135, %mul3A_309 : i32
      %add3A_311 = arith.constant 6 : i32
      %add3A_312 = arith.addi %mul3A_310, %add3A_311 : i32
      %dma_start3A_313 = arith.constant 0 : i32
      %dma_start3A_314 = arith.constant 0 : i32
      %dma_start3A_315 = tpu.memref_slice %arg8[%add3A_312, %dma_start3A_314] : memref<256x96xf32, #tpu.memory_space<vmem>> -> memref<1x96xf32, #tpu.memory_space<vmem>>
      %dma_start3A_316 = arith.constant 0 : i32
      %dma_start3A_317 = tpu.memref_slice %arg3[%squeeze3A_308, %dma_start3A_316] : memref<1000000x96xf32, #tpu.memory_space<hbm>> -> memref<1x96xf32, #tpu.memory_space<hbm>>
      %dma_start3A_318 = tpu.memref_slice %arg10[%dma_start3A_313] : memref<2x!tpu.dma_semaphore, #tpu.memory_space<semaphore_mem>> -> memref<1x!tpu.dma_semaphore, #tpu.memory_space<semaphore_mem>>
      %dma_start3A_319 = tpu.memref_squeeze %dma_start3A_318 : memref<1x!tpu.dma_semaphore, #tpu.memory_space<semaphore_mem>> -> memref<!tpu.dma_semaphore, #tpu.memory_space<semaphore_mem>>
      %dma_start3A_320 = arith.constant 0 : i32
      %dma_start3A_321 = tpu.memref_slice %arg8[%add3A_312, %dma_start3A_320] : memref<256x96xf32, #tpu.memory_space<vmem>> -> memref<1x96xf32, #tpu.memory_space<vmem>>
      %dma_start3A_322 = arith.constant 0 : i32
      %dma_start3A_323 = tpu.memref_slice %arg3[%squeeze3A_308, %dma_start3A_322] : memref<1000000x96xf32, #tpu.memory_space<hbm>> -> memref<1x96xf32, #tpu.memory_space<hbm>>
      tpu.enqueue_dma source(%dma_start3A_323 : memref<1x96xf32, #tpu.memory_space<hbm>>) target(%dma_start3A_321 : memref<1x96xf32, #tpu.memory_space<vmem>>) target_semaphore(%dma_start3A_319 : memref<!tpu.dma_semaphore, #tpu.memory_space<semaphore_mem>>)
      %dma_start3A_324 = arith.constant 0 : i32
      %dma_start3A_325 = arith.constant 0 : i32
      %dma_start3A_326 = tpu.memref_slice %arg9[%add3A_312, %dma_start3A_325] : memref<256x96xf32, #tpu.memory_space<vmem>> -> memref<1x96xf32, #tpu.memory_space<vmem>>
      %dma_start3A_327 = arith.constant 0 : i32
      %dma_start3A_328 = tpu.memref_slice %arg4[%squeeze3A_308, %dma_start3A_327] : memref<1000000x96xf32, #tpu.memory_space<hbm>> -> memref<1x96xf32, #tpu.memory_space<hbm>>
      %dma_start3A_329 = tpu.memref_slice %arg11[%dma_start3A_324] : memref<2x!tpu.dma_semaphore, #tpu.memory_space<semaphore_mem>> -> memref<1x!tpu.dma_semaphore, #tpu.memory_space<semaphore_mem>>
      %dma_start3A_330 = tpu.memref_squeeze %dma_start3A_329 : memref<1x!tpu.dma_semaphore, #tpu.memory_space<semaphore_mem>> -> memref<!tpu.dma_semaphore, #tpu.memory_space<semaphore_mem>>
      %dma_start3A_331 = arith.constant 0 : i32
      %dma_start3A_332 = tpu.memref_slice %arg9[%add3A_312, %dma_start3A_331] : memref<256x96xf32, #tpu.memory_space<vmem>> -> memref<1x96xf32, #tpu.memory_space<vmem>>
      %dma_start3A_333 = arith.constant 0 : i32
      %dma_start3A_334 = tpu.memref_slice %arg4[%squeeze3A_308, %dma_start3A_333] : memref<1000000x96xf32, #tpu.memory_space<hbm>> -> memref<1x96xf32, #tpu.memory_space<hbm>>
      tpu.enqueue_dma source(%dma_start3A_334 : memref<1x96xf32, #tpu.memory_space<hbm>>) target(%dma_start3A_332 : memref<1x96xf32, #tpu.memory_space<vmem>>) target_semaphore(%dma_start3A_330 : memref<!tpu.dma_semaphore, #tpu.memory_space<semaphore_mem>>)
      %slice3A_335 = vector.extract_strided_slice %get3A_141 {offsets = [7], sizes = [1], strides = [1]} : vector<16xi32> to vector<1xi32>
      %squeeze3A_336 = vector.extract %slice3A_335[0] : i32 from vector<1xi32>
      %mul3A_337 = arith.constant 16 : i32
      %mul3A_338 = arith.muli %scan3A_135, %mul3A_337 : i32
      %add3A_339 = arith.constant 7 : i32
      %add3A_340 = arith.addi %mul3A_338, %add3A_339 : i32
      %dma_start3A_341 = arith.constant 1 : i32
      %dma_start3A_342 = arith.constant 0 : i32
      %dma_start3A_343 = tpu.memref_slice %arg8[%add3A_340, %dma_start3A_342] : memref<256x96xf32, #tpu.memory_space<vmem>> -> memref<1x96xf32, #tpu.memory_space<vmem>>
      %dma_start3A_344 = arith.constant 0 : i32
      %dma_start3A_345 = tpu.memref_slice %arg3[%squeeze3A_336, %dma_start3A_344] : memref<1000000x96xf32, #tpu.memory_space<hbm>> -> memref<1x96xf32, #tpu.memory_space<hbm>>
      %dma_start3A_346 = tpu.memref_slice %arg10[%dma_start3A_341] : memref<2x!tpu.dma_semaphore, #tpu.memory_space<semaphore_mem>> -> memref<1x!tpu.dma_semaphore, #tpu.memory_space<semaphore_mem>>
      %dma_start3A_347 = tpu.memref_squeeze %dma_start3A_346 : memref<1x!tpu.dma_semaphore, #tpu.memory_space<semaphore_mem>> -> memref<!tpu.dma_semaphore, #tpu.memory_space<semaphore_mem>>
      %dma_start3A_348 = arith.constant 0 : i32
      %dma_start3A_349 = tpu.memref_slice %arg8[%add3A_340, %dma_start3A_348] : memref<256x96xf32, #tpu.memory_space<vmem>> -> memref<1x96xf32, #tpu.memory_space<vmem>>
      %dma_start3A_350 = arith.constant 0 : i32
      %dma_start3A_351 = tpu.memref_slice %arg3[%squeeze3A_336, %dma_start3A_350] : memref<1000000x96xf32, #tpu.memory_space<hbm>> -> memref<1x96xf32, #tpu.memory_space<hbm>>
      tpu.enqueue_dma source(%dma_start3A_351 : memref<1x96xf32, #tpu.memory_space<hbm>>) target(%dma_start3A_349 : memref<1x96xf32, #tpu.memory_space<vmem>>) target_semaphore(%dma_start3A_347 : memref<!tpu.dma_semaphore, #tpu.memory_space<semaphore_mem>>)
      %dma_start3A_352 = arith.constant 1 : i32
      %dma_start3A_353 = arith.constant 0 : i32
      %dma_start3A_354 = tpu.memref_slice %arg9[%add3A_340, %dma_start3A_353] : memref<256x96xf32, #tpu.memory_space<vmem>> -> memref<1x96xf32, #tpu.memory_space<vmem>>
      %dma_start3A_355 = arith.constant 0 : i32
      %dma_start3A_356 = tpu.memref_slice %arg4[%squeeze3A_336, %dma_start3A_355] : memref<1000000x96xf32, #tpu.memory_space<hbm>> -> memref<1x96xf32, #tpu.memory_space<hbm>>
      %dma_start3A_357 = tpu.memref_slice %arg11[%dma_start3A_352] : memref<2x!tpu.dma_semaphore, #tpu.memory_space<semaphore_mem>> -> memref<1x!tpu.dma_semaphore, #tpu.memory_space<semaphore_mem>>
      %dma_start3A_358 = tpu.memref_squeeze %dma_start3A_357 : memref<1x!tpu.dma_semaphore, #tpu.memory_space<semaphore_mem>> -> memref<!tpu.dma_semaphore, #tpu.memory_space<semaphore_mem>>
      %dma_start3A_359 = arith.constant 0 : i32
      %dma_start3A_360 = tpu.memref_slice %arg9[%add3A_340, %dma_start3A_359] : memref<256x96xf32, #tpu.memory_space<vmem>> -> memref<1x96xf32, #tpu.memory_space<vmem>>
      %dma_start3A_361 = arith.constant 0 : i32
      %dma_start3A_362 = tpu.memref_slice %arg4[%squeeze3A_336, %dma_start3A_361] : memref<1000000x96xf32, #tpu.memory_space<hbm>> -> memref<1x96xf32, #tpu.memory_space<hbm>>
      tpu.enqueue_dma source(%dma_start3A_362 : memref<1x96xf32, #tpu.memory_space<hbm>>) target(%dma_start3A_360 : memref<1x96xf32, #tpu.memory_space<vmem>>) target_semaphore(%dma_start3A_358 : memref<!tpu.dma_semaphore, #tpu.memory_space<semaphore_mem>>)
      %slice3A_363 = vector.extract_strided_slice %get3A_141 {offsets = [8], sizes = [1], strides = [1]} : vector<16xi32> to vector<1xi32>
      %squeeze3A_364 = vector.extract %slice3A_363[0] : i32 from vector<1xi32>
      %mul3A_365 = arith.constant 16 : i32
      %mul3A_366 = arith.muli %scan3A_135, %mul3A_365 : i32
      %add3A_367 = arith.constant 8 : i32
      %add3A_368 = arith.addi %mul3A_366, %add3A_367 : i32
      %dma_start3A_369 = arith.constant 0 : i32
      %dma_start3A_370 = arith.constant 0 : i32
      %dma_start3A_371 = tpu.memref_slice %arg8[%add3A_368, %dma_start3A_370] : memref<256x96xf32, #tpu.memory_space<vmem>> -> memref<1x96xf32, #tpu.memory_space<vmem>>
      %dma_start3A_372 = arith.constant 0 : i32
      %dma_start3A_373 = tpu.memref_slice %arg3[%squeeze3A_364, %dma_start3A_372] : memref<1000000x96xf32, #tpu.memory_space<hbm>> -> memref<1x96xf32, #tpu.memory_space<hbm>>
      %dma_start3A_374 = tpu.memref_slice %arg10[%dma_start3A_369] : memref<2x!tpu.dma_semaphore, #tpu.memory_space<semaphore_mem>> -> memref<1x!tpu.dma_semaphore, #tpu.memory_space<semaphore_mem>>
      %dma_start3A_375 = tpu.memref_squeeze %dma_start3A_374 : memref<1x!tpu.dma_semaphore, #tpu.memory_space<semaphore_mem>> -> memref<!tpu.dma_semaphore, #tpu.memory_space<semaphore_mem>>
      %dma_start3A_376 = arith.constant 0 : i32
      %dma_start3A_377 = tpu.memref_slice %arg8[%add3A_368, %dma_start3A_376] : memref<256x96xf32, #tpu.memory_space<vmem>> -> memref<1x96xf32, #tpu.memory_space<vmem>>
      %dma_start3A_378 = arith.constant 0 : i32
      %dma_start3A_379 = tpu.memref_slice %arg3[%squeeze3A_364, %dma_start3A_378] : memref<1000000x96xf32, #tpu.memory_space<hbm>> -> memref<1x96xf32, #tpu.memory_space<hbm>>
      tpu.enqueue_dma source(%dma_start3A_379 : memref<1x96xf32, #tpu.memory_space<hbm>>) target(%dma_start3A_377 : memref<1x96xf32, #tpu.memory_space<vmem>>) target_semaphore(%dma_start3A_375 : memref<!tpu.dma_semaphore, #tpu.memory_space<semaphore_mem>>)
      %dma_start3A_380 = arith.constant 0 : i32
      %dma_start3A_381 = arith.constant 0 : i32
      %dma_start3A_382 = tpu.memref_slice %arg9[%add3A_368, %dma_start3A_381] : memref<256x96xf32, #tpu.memory_space<vmem>> -> memref<1x96xf32, #tpu.memory_space<vmem>>
      %dma_start3A_383 = arith.constant 0 : i32
      %dma_start3A_384 = tpu.memref_slice %arg4[%squeeze3A_364, %dma_start3A_383] : memref<1000000x96xf32, #tpu.memory_space<hbm>> -> memref<1x96xf32, #tpu.memory_space<hbm>>
      %dma_start3A_385 = tpu.memref_slice %arg11[%dma_start3A_380] : memref<2x!tpu.dma_semaphore, #tpu.memory_space<semaphore_mem>> -> memref<1x!tpu.dma_semaphore, #tpu.memory_space<semaphore_mem>>
      %dma_start3A_386 = tpu.memref_squeeze %dma_start3A_385 : memref<1x!tpu.dma_semaphore, #tpu.memory_space<semaphore_mem>> -> memref<!tpu.dma_semaphore, #tpu.memory_space<semaphore_mem>>
      %dma_start3A_387 = arith.constant 0 : i32
      %dma_start3A_388 = tpu.memref_slice %arg9[%add3A_368, %dma_start3A_387] : memref<256x96xf32, #tpu.memory_space<vmem>> -> memref<1x96xf32, #tpu.memory_space<vmem>>
      %dma_start3A_389 = arith.constant 0 : i32
      %dma_start3A_390 = tpu.memref_slice %arg4[%squeeze3A_364, %dma_start3A_389] : memref<1000000x96xf32, #tpu.memory_space<hbm>> -> memref<1x96xf32, #tpu.memory_space<hbm>>
      tpu.enqueue_dma source(%dma_start3A_390 : memref<1x96xf32, #tpu.memory_space<hbm>>) target(%dma_start3A_388 : memref<1x96xf32, #tpu.memory_space<vmem>>) target_semaphore(%dma_start3A_386 : memref<!tpu.dma_semaphore, #tpu.memory_space<semaphore_mem>>)
      %slice3A_391 = vector.extract_strided_slice %get3A_141 {offsets = [9], sizes = [1], strides = [1]} : vector<16xi32> to vector<1xi32>
      %squeeze3A_392 = vector.extract %slice3A_391[0] : i32 from vector<1xi32>
      %mul3A_393 = arith.constant 16 : i32
      %mul3A_394 = arith.muli %scan3A_135, %mul3A_393 : i32
      %add3A_395 = arith.constant 9 : i32
      %add3A_396 = arith.addi %mul3A_394, %add3A_395 : i32
      %dma_start3A_397 = arith.constant 1 : i32
      %dma_start3A_398 = arith.constant 0 : i32
      %dma_start3A_399 = tpu.memref_slice %arg8[%add3A_396, %dma_start3A_398] : memref<256x96xf32, #tpu.memory_space<vmem>> -> memref<1x96xf32, #tpu.memory_space<vmem>>
      %dma_start3A_400 = arith.constant 0 : i32
      %dma_start3A_401 = tpu.memref_slice %arg3[%squeeze3A_392, %dma_start3A_400] : memref<1000000x96xf32, #tpu.memory_space<hbm>> -> memref<1x96xf32, #tpu.memory_space<hbm>>
      %dma_start3A_402 = tpu.memref_slice %arg10[%dma_start3A_397] : memref<2x!tpu.dma_semaphore, #tpu.memory_space<semaphore_mem>> -> memref<1x!tpu.dma_semaphore, #tpu.memory_space<semaphore_mem>>
      %dma_start3A_403 = tpu.memref_squeeze %dma_start3A_402 : memref<1x!tpu.dma_semaphore, #tpu.memory_space<semaphore_mem>> -> memref<!tpu.dma_semaphore, #tpu.memory_space<semaphore_mem>>
      %dma_start3A_404 = arith.constant 0 : i32
      %dma_start3A_405 = tpu.memref_slice %arg8[%add3A_396, %dma_start3A_404] : memref<256x96xf32, #tpu.memory_space<vmem>> -> memref<1x96xf32, #tpu.memory_space<vmem>>
      %dma_start3A_406 = arith.constant 0 : i32
      %dma_start3A_407 = tpu.memref_slice %arg3[%squeeze3A_392, %dma_start3A_406] : memref<1000000x96xf32, #tpu.memory_space<hbm>> -> memref<1x96xf32, #tpu.memory_space<hbm>>
      tpu.enqueue_dma source(%dma_start3A_407 : memref<1x96xf32, #tpu.memory_space<hbm>>) target(%dma_start3A_405 : memref<1x96xf32, #tpu.memory_space<vmem>>) target_semaphore(%dma_start3A_403 : memref<!tpu.dma_semaphore, #tpu.memory_space<semaphore_mem>>)
      %dma_start3A_408 = arith.constant 1 : i32
      %dma_start3A_409 = arith.constant 0 : i32
      %dma_start3A_410 = tpu.memref_slice %arg9[%add3A_396, %dma_start3A_409] : memref<256x96xf32, #tpu.memory_space<vmem>> -> memref<1x96xf32, #tpu.memory_space<vmem>>
      %dma_start3A_411 = arith.constant 0 : i32
      %dma_start3A_412 = tpu.memref_slice %arg4[%squeeze3A_392, %dma_start3A_411] : memref<1000000x96xf32, #tpu.memory_space<hbm>> -> memref<1x96xf32, #tpu.memory_space<hbm>>
      %dma_start3A_413 = tpu.memref_slice %arg11[%dma_start3A_408] : memref<2x!tpu.dma_semaphore, #tpu.memory_space<semaphore_mem>> -> memref<1x!tpu.dma_semaphore, #tpu.memory_space<semaphore_mem>>
      %dma_start3A_414 = tpu.memref_squeeze %dma_start3A_413 : memref<1x!tpu.dma_semaphore, #tpu.memory_space<semaphore_mem>> -> memref<!tpu.dma_semaphore, #tpu.memory_space<semaphore_mem>>
      %dma_start3A_415 = arith.constant 0 : i32
      %dma_start3A_416 = tpu.memref_slice %arg9[%add3A_396, %dma_start3A_415] : memref<256x96xf32, #tpu.memory_space<vmem>> -> memref<1x96xf32, #tpu.memory_space<vmem>>
      %dma_start3A_417 = arith.constant 0 : i32
      %dma_start3A_418 = tpu.memref_slice %arg4[%squeeze3A_392, %dma_start3A_417] : memref<1000000x96xf32, #tpu.memory_space<hbm>> -> memref<1x96xf32, #tpu.memory_space<hbm>>
      tpu.enqueue_dma source(%dma_start3A_418 : memref<1x96xf32, #tpu.memory_space<hbm>>) target(%dma_start3A_416 : memref<1x96xf32, #tpu.memory_space<vmem>>) target_semaphore(%dma_start3A_414 : memref<!tpu.dma_semaphore, #tpu.memory_space<semaphore_mem>>)
      %slice3A_419 = vector.extract_strided_slice %get3A_141 {offsets = [10], sizes = [1], strides = [1]} : vector<16xi32> to vector<1xi32>
      %squeeze3A_420 = vector.extract %slice3A_419[0] : i32 from vector<1xi32>
      %mul3A_421 = arith.constant 16 : i32
      %mul3A_422 = arith.muli %scan3A_135, %mul3A_421 : i32
      %add3A_423 = arith.constant 10 : i32
      %add3A_424 = arith.addi %mul3A_422, %add3A_423 : i32
      %dma_start3A_425 = arith.constant 0 : i32
      %dma_start3A_426 = arith.constant 0 : i32
      %dma_start3A_427 = tpu.memref_slice %arg8[%add3A_424, %dma_start3A_426] : memref<256x96xf32, #tpu.memory_space<vmem>> -> memref<1x96xf32, #tpu.memory_space<vmem>>
      %dma_start3A_428 = arith.constant 0 : i32
      %dma_start3A_429 = tpu.memref_slice %arg3[%squeeze3A_420, %dma_start3A_428] : memref<1000000x96xf32, #tpu.memory_space<hbm>> -> memref<1x96xf32, #tpu.memory_space<hbm>>
      %dma_start3A_430 = tpu.memref_slice %arg10[%dma_start3A_425] : memref<2x!tpu.dma_semaphore, #tpu.memory_space<semaphore_mem>> -> memref<1x!tpu.dma_semaphore, #tpu.memory_space<semaphore_mem>>
      %dma_start3A_431 = tpu.memref_squeeze %dma_start3A_430 : memref<1x!tpu.dma_semaphore, #tpu.memory_space<semaphore_mem>> -> memref<!tpu.dma_semaphore, #tpu.memory_space<semaphore_mem>>
      %dma_start3A_432 = arith.constant 0 : i32
      %dma_start3A_433 = tpu.memref_slice %arg8[%add3A_424, %dma_start3A_432] : memref<256x96xf32, #tpu.memory_space<vmem>> -> memref<1x96xf32, #tpu.memory_space<vmem>>
      %dma_start3A_434 = arith.constant 0 : i32
      %dma_start3A_435 = tpu.memref_slice %arg3[%squeeze3A_420, %dma_start3A_434] : memref<1000000x96xf32, #tpu.memory_space<hbm>> -> memref<1x96xf32, #tpu.memory_space<hbm>>
      tpu.enqueue_dma source(%dma_start3A_435 : memref<1x96xf32, #tpu.memory_space<hbm>>) target(%dma_start3A_433 : memref<1x96xf32, #tpu.memory_space<vmem>>) target_semaphore(%dma_start3A_431 : memref<!tpu.dma_semaphore, #tpu.memory_space<semaphore_mem>>)
      %dma_start3A_436 = arith.constant 0 : i32
      %dma_start3A_437 = arith.constant 0 : i32
      %dma_start3A_438 = tpu.memref_slice %arg9[%add3A_424, %dma_start3A_437] : memref<256x96xf32, #tpu.memory_space<vmem>> -> memref<1x96xf32, #tpu.memory_space<vmem>>
      %dma_start3A_439 = arith.constant 0 : i32
      %dma_start3A_440 = tpu.memref_slice %arg4[%squeeze3A_420, %dma_start3A_439] : memref<1000000x96xf32, #tpu.memory_space<hbm>> -> memref<1x96xf32, #tpu.memory_space<hbm>>
      %dma_start3A_441 = tpu.memref_slice %arg11[%dma_start3A_436] : memref<2x!tpu.dma_semaphore, #tpu.memory_space<semaphore_mem>> -> memref<1x!tpu.dma_semaphore, #tpu.memory_space<semaphore_mem>>
      %dma_start3A_442 = tpu.memref_squeeze %dma_start3A_441 : memref<1x!tpu.dma_semaphore, #tpu.memory_space<semaphore_mem>> -> memref<!tpu.dma_semaphore, #tpu.memory_space<semaphore_mem>>
      %dma_start3A_443 = arith.constant 0 : i32
      %dma_start3A_444 = tpu.memref_slice %arg9[%add3A_424, %dma_start3A_443] : memref<256x96xf32, #tpu.memory_space<vmem>> -> memref<1x96xf32, #tpu.memory_space<vmem>>
      %dma_start3A_445 = arith.constant 0 : i32
      %dma_start3A_446 = tpu.memref_slice %arg4[%squeeze3A_420, %dma_start3A_445] : memref<1000000x96xf32, #tpu.memory_space<hbm>> -> memref<1x96xf32, #tpu.memory_space<hbm>>
      tpu.enqueue_dma source(%dma_start3A_446 : memref<1x96xf32, #tpu.memory_space<hbm>>) target(%dma_start3A_444 : memref<1x96xf32, #tpu.memory_space<vmem>>) target_semaphore(%dma_start3A_442 : memref<!tpu.dma_semaphore, #tpu.memory_space<semaphore_mem>>)
      %slice3A_447 = vector.extract_strided_slice %get3A_141 {offsets = [11], sizes = [1], strides = [1]} : vector<16xi32> to vector<1xi32>
      %squeeze3A_448 = vector.extract %slice3A_447[0] : i32 from vector<1xi32>
      %mul3A_449 = arith.constant 16 : i32
      %mul3A_450 = arith.muli %scan3A_135, %mul3A_449 : i32
      %add3A_451 = arith.constant 11 : i32
      %add3A_452 = arith.addi %mul3A_450, %add3A_451 : i32
      %dma_start3A_453 = arith.constant 1 : i32
      %dma_start3A_454 = arith.constant 0 : i32
      %dma_start3A_455 = tpu.memref_slice %arg8[%add3A_452, %dma_start3A_454] : memref<256x96xf32, #tpu.memory_space<vmem>> -> memref<1x96xf32, #tpu.memory_space<vmem>>
      %dma_start3A_456 = arith.constant 0 : i32
      %dma_start3A_457 = tpu.memref_slice %arg3[%squeeze3A_448, %dma_start3A_456] : memref<1000000x96xf32, #tpu.memory_space<hbm>> -> memref<1x96xf32, #tpu.memory_space<hbm>>
      %dma_start3A_458 = tpu.memref_slice %arg10[%dma_start3A_453] : memref<2x!tpu.dma_semaphore, #tpu.memory_space<semaphore_mem>> -> memref<1x!tpu.dma_semaphore, #tpu.memory_space<semaphore_mem>>
      %dma_start3A_459 = tpu.memref_squeeze %dma_start3A_458 : memref<1x!tpu.dma_semaphore, #tpu.memory_space<semaphore_mem>> -> memref<!tpu.dma_semaphore, #tpu.memory_space<semaphore_mem>>
      %dma_start3A_460 = arith.constant 0 : i32
      %dma_start3A_461 = tpu.memref_slice %arg8[%add3A_452, %dma_start3A_460] : memref<256x96xf32, #tpu.memory_space<vmem>> -> memref<1x96xf32, #tpu.memory_space<vmem>>
      %dma_start3A_462 = arith.constant 0 : i32
      %dma_start3A_463 = tpu.memref_slice %arg3[%squeeze3A_448, %dma_start3A_462] : memref<1000000x96xf32, #tpu.memory_space<hbm>> -> memref<1x96xf32, #tpu.memory_space<hbm>>
      tpu.enqueue_dma source(%dma_start3A_463 : memref<1x96xf32, #tpu.memory_space<hbm>>) target(%dma_start3A_461 : memref<1x96xf32, #tpu.memory_space<vmem>>) target_semaphore(%dma_start3A_459 : memref<!tpu.dma_semaphore, #tpu.memory_space<semaphore_mem>>)
      %dma_start3A_464 = arith.constant 1 : i32
      %dma_start3A_465 = arith.constant 0 : i32
      %dma_start3A_466 = tpu.memref_slice %arg9[%add3A_452, %dma_start3A_465] : memref<256x96xf32, #tpu.memory_space<vmem>> -> memref<1x96xf32, #tpu.memory_space<vmem>>
      %dma_start3A_467 = arith.constant 0 : i32
      %dma_start3A_468 = tpu.memref_slice %arg4[%squeeze3A_448, %dma_start3A_467] : memref<1000000x96xf32, #tpu.memory_space<hbm>> -> memref<1x96xf32, #tpu.memory_space<hbm>>
      %dma_start3A_469 = tpu.memref_slice %arg11[%dma_start3A_464] : memref<2x!tpu.dma_semaphore, #tpu.memory_space<semaphore_mem>> -> memref<1x!tpu.dma_semaphore, #tpu.memory_space<semaphore_mem>>
      %dma_start3A_470 = tpu.memref_squeeze %dma_start3A_469 : memref<1x!tpu.dma_semaphore, #tpu.memory_space<semaphore_mem>> -> memref<!tpu.dma_semaphore, #tpu.memory_space<semaphore_mem>>
      %dma_start3A_471 = arith.constant 0 : i32
      %dma_start3A_472 = tpu.memref_slice %arg9[%add3A_452, %dma_start3A_471] : memref<256x96xf32, #tpu.memory_space<vmem>> -> memref<1x96xf32, #tpu.memory_space<vmem>>
      %dma_start3A_473 = arith.constant 0 : i32
      %dma_start3A_474 = tpu.memref_slice %arg4[%squeeze3A_448, %dma_start3A_473] : memref<1000000x96xf32, #tpu.memory_space<hbm>> -> memref<1x96xf32, #tpu.memory_space<hbm>>
      tpu.enqueue_dma source(%dma_start3A_474 : memref<1x96xf32, #tpu.memory_space<hbm>>) target(%dma_start3A_472 : memref<1x96xf32, #tpu.memory_space<vmem>>) target_semaphore(%dma_start3A_470 : memref<!tpu.dma_semaphore, #tpu.memory_space<semaphore_mem>>)
      %slice3A_475 = vector.extract_strided_slice %get3A_141 {offsets = [12], sizes = [1], strides = [1]} : vector<16xi32> to vector<1xi32>
      %squeeze3A_476 = vector.extract %slice3A_475[0] : i32 from vector<1xi32>
      %mul3A_477 = arith.constant 16 : i32
      %mul3A_478 = arith.muli %scan3A_135, %mul3A_477 : i32
      %add3A_479 = arith.constant 12 : i32
      %add3A_480 = arith.addi %mul3A_478, %add3A_479 : i32
      %dma_start3A_481 = arith.constant 0 : i32
      %dma_start3A_482 = arith.constant 0 : i32
      %dma_start3A_483 = tpu.memref_slice %arg8[%add3A_480, %dma_start3A_482] : memref<256x96xf32, #tpu.memory_space<vmem>> -> memref<1x96xf32, #tpu.memory_space<vmem>>
      %dma_start3A_484 = arith.constant 0 : i32
      %dma_start3A_485 = tpu.memref_slice %arg3[%squeeze3A_476, %dma_start3A_484] : memref<1000000x96xf32, #tpu.memory_space<hbm>> -> memref<1x96xf32, #tpu.memory_space<hbm>>
      %dma_start3A_486 = tpu.memref_slice %arg10[%dma_start3A_481] : memref<2x!tpu.dma_semaphore, #tpu.memory_space<semaphore_mem>> -> memref<1x!tpu.dma_semaphore, #tpu.memory_space<semaphore_mem>>
      %dma_start3A_487 = tpu.memref_squeeze %dma_start3A_486 : memref<1x!tpu.dma_semaphore, #tpu.memory_space<semaphore_mem>> -> memref<!tpu.dma_semaphore, #tpu.memory_space<semaphore_mem>>
      %dma_start3A_488 = arith.constant 0 : i32
      %dma_start3A_489 = tpu.memref_slice %arg8[%add3A_480, %dma_start3A_488] : memref<256x96xf32, #tpu.memory_space<vmem>> -> memref<1x96xf32, #tpu.memory_space<vmem>>
      %dma_start3A_490 = arith.constant 0 : i32
      %dma_start3A_491 = tpu.memref_slice %arg3[%squeeze3A_476, %dma_start3A_490] : memref<1000000x96xf32, #tpu.memory_space<hbm>> -> memref<1x96xf32, #tpu.memory_space<hbm>>
      tpu.enqueue_dma source(%dma_start3A_491 : memref<1x96xf32, #tpu.memory_space<hbm>>) target(%dma_start3A_489 : memref<1x96xf32, #tpu.memory_space<vmem>>) target_semaphore(%dma_start3A_487 : memref<!tpu.dma_semaphore, #tpu.memory_space<semaphore_mem>>)
      %dma_start3A_492 = arith.constant 0 : i32
      %dma_start3A_493 = arith.constant 0 : i32
      %dma_start3A_494 = tpu.memref_slice %arg9[%add3A_480, %dma_start3A_493] : memref<256x96xf32, #tpu.memory_space<vmem>> -> memref<1x96xf32, #tpu.memory_space<vmem>>
      %dma_start3A_495 = arith.constant 0 : i32
      %dma_start3A_496 = tpu.memref_slice %arg4[%squeeze3A_476, %dma_start3A_495] : memref<1000000x96xf32, #tpu.memory_space<hbm>> -> memref<1x96xf32, #tpu.memory_space<hbm>>
      %dma_start3A_497 = tpu.memref_slice %arg11[%dma_start3A_492] : memref<2x!tpu.dma_semaphore, #tpu.memory_space<semaphore_mem>> -> memref<1x!tpu.dma_semaphore, #tpu.memory_space<semaphore_mem>>
      %dma_start3A_498 = tpu.memref_squeeze %dma_start3A_497 : memref<1x!tpu.dma_semaphore, #tpu.memory_space<semaphore_mem>> -> memref<!tpu.dma_semaphore, #tpu.memory_space<semaphore_mem>>
      %dma_start3A_499 = arith.constant 0 : i32
      %dma_start3A_500 = tpu.memref_slice %arg9[%add3A_480, %dma_start3A_499] : memref<256x96xf32, #tpu.memory_space<vmem>> -> memref<1x96xf32, #tpu.memory_space<vmem>>
      %dma_start3A_501 = arith.constant 0 : i32
      %dma_start3A_502 = tpu.memref_slice %arg4[%squeeze3A_476, %dma_start3A_501] : memref<1000000x96xf32, #tpu.memory_space<hbm>> -> memref<1x96xf32, #tpu.memory_space<hbm>>
      tpu.enqueue_dma source(%dma_start3A_502 : memref<1x96xf32, #tpu.memory_space<hbm>>) target(%dma_start3A_500 : memref<1x96xf32, #tpu.memory_space<vmem>>) target_semaphore(%dma_start3A_498 : memref<!tpu.dma_semaphore, #tpu.memory_space<semaphore_mem>>)
      %slice3A_503 = vector.extract_strided_slice %get3A_141 {offsets = [13], sizes = [1], strides = [1]} : vector<16xi32> to vector<1xi32>
      %squeeze3A_504 = vector.extract %slice3A_503[0] : i32 from vector<1xi32>
      %mul3A_505 = arith.constant 16 : i32
      %mul3A_506 = arith.muli %scan3A_135, %mul3A_505 : i32
      %add3A_507 = arith.constant 13 : i32
      %add3A_508 = arith.addi %mul3A_506, %add3A_507 : i32
      %dma_start3A_509 = arith.constant 1 : i32
      %dma_start3A_510 = arith.constant 0 : i32
      %dma_start3A_511 = tpu.memref_slice %arg8[%add3A_508, %dma_start3A_510] : memref<256x96xf32, #tpu.memory_space<vmem>> -> memref<1x96xf32, #tpu.memory_space<vmem>>
      %dma_start3A_512 = arith.constant 0 : i32
      %dma_start3A_513 = tpu.memref_slice %arg3[%squeeze3A_504, %dma_start3A_512] : memref<1000000x96xf32, #tpu.memory_space<hbm>> -> memref<1x96xf32, #tpu.memory_space<hbm>>
      %dma_start3A_514 = tpu.memref_slice %arg10[%dma_start3A_509] : memref<2x!tpu.dma_semaphore, #tpu.memory_space<semaphore_mem>> -> memref<1x!tpu.dma_semaphore, #tpu.memory_space<semaphore_mem>>
      %dma_start3A_515 = tpu.memref_squeeze %dma_start3A_514 : memref<1x!tpu.dma_semaphore, #tpu.memory_space<semaphore_mem>> -> memref<!tpu.dma_semaphore, #tpu.memory_space<semaphore_mem>>
      %dma_start3A_516 = arith.constant 0 : i32
      %dma_start3A_517 = tpu.memref_slice %arg8[%add3A_508, %dma_start3A_516] : memref<256x96xf32, #tpu.memory_space<vmem>> -> memref<1x96xf32, #tpu.memory_space<vmem>>
      %dma_start3A_518 = arith.constant 0 : i32
      %dma_start3A_519 = tpu.memref_slice %arg3[%squeeze3A_504, %dma_start3A_518] : memref<1000000x96xf32, #tpu.memory_space<hbm>> -> memref<1x96xf32, #tpu.memory_space<hbm>>
      tpu.enqueue_dma source(%dma_start3A_519 : memref<1x96xf32, #tpu.memory_space<hbm>>) target(%dma_start3A_517 : memref<1x96xf32, #tpu.memory_space<vmem>>) target_semaphore(%dma_start3A_515 : memref<!tpu.dma_semaphore, #tpu.memory_space<semaphore_mem>>)
      %dma_start3A_520 = arith.constant 1 : i32
      %dma_start3A_521 = arith.constant 0 : i32
      %dma_start3A_522 = tpu.memref_slice %arg9[%add3A_508, %dma_start3A_521] : memref<256x96xf32, #tpu.memory_space<vmem>> -> memref<1x96xf32, #tpu.memory_space<vmem>>
      %dma_start3A_523 = arith.constant 0 : i32
      %dma_start3A_524 = tpu.memref_slice %arg4[%squeeze3A_504, %dma_start3A_523] : memref<1000000x96xf32, #tpu.memory_space<hbm>> -> memref<1x96xf32, #tpu.memory_space<hbm>>
      %dma_start3A_525 = tpu.memref_slice %arg11[%dma_start3A_520] : memref<2x!tpu.dma_semaphore, #tpu.memory_space<semaphore_mem>> -> memref<1x!tpu.dma_semaphore, #tpu.memory_space<semaphore_mem>>
      %dma_start3A_526 = tpu.memref_squeeze %dma_start3A_525 : memref<1x!tpu.dma_semaphore, #tpu.memory_space<semaphore_mem>> -> memref<!tpu.dma_semaphore, #tpu.memory_space<semaphore_mem>>
      %dma_start3A_527 = arith.constant 0 : i32
      %dma_start3A_528 = tpu.memref_slice %arg9[%add3A_508, %dma_start3A_527] : memref<256x96xf32, #tpu.memory_space<vmem>> -> memref<1x96xf32, #tpu.memory_space<vmem>>
      %dma_start3A_529 = arith.constant 0 : i32
      %dma_start3A_530 = tpu.memref_slice %arg4[%squeeze3A_504, %dma_start3A_529] : memref<1000000x96xf32, #tpu.memory_space<hbm>> -> memref<1x96xf32, #tpu.memory_space<hbm>>
      tpu.enqueue_dma source(%dma_start3A_530 : memref<1x96xf32, #tpu.memory_space<hbm>>) target(%dma_start3A_528 : memref<1x96xf32, #tpu.memory_space<vmem>>) target_semaphore(%dma_start3A_526 : memref<!tpu.dma_semaphore, #tpu.memory_space<semaphore_mem>>)
      %slice3A_531 = vector.extract_strided_slice %get3A_141 {offsets = [14], sizes = [1], strides = [1]} : vector<16xi32> to vector<1xi32>
      %squeeze3A_532 = vector.extract %slice3A_531[0] : i32 from vector<1xi32>
      %mul3A_533 = arith.constant 16 : i32
      %mul3A_534 = arith.muli %scan3A_135, %mul3A_533 : i32
      %add3A_535 = arith.constant 14 : i32
      %add3A_536 = arith.addi %mul3A_534, %add3A_535 : i32
      %dma_start3A_537 = arith.constant 0 : i32
      %dma_start3A_538 = arith.constant 0 : i32
      %dma_start3A_539 = tpu.memref_slice %arg8[%add3A_536, %dma_start3A_538] : memref<256x96xf32, #tpu.memory_space<vmem>> -> memref<1x96xf32, #tpu.memory_space<vmem>>
      %dma_start3A_540 = arith.constant 0 : i32
      %dma_start3A_541 = tpu.memref_slice %arg3[%squeeze3A_532, %dma_start3A_540] : memref<1000000x96xf32, #tpu.memory_space<hbm>> -> memref<1x96xf32, #tpu.memory_space<hbm>>
      %dma_start3A_542 = tpu.memref_slice %arg10[%dma_start3A_537] : memref<2x!tpu.dma_semaphore, #tpu.memory_space<semaphore_mem>> -> memref<1x!tpu.dma_semaphore, #tpu.memory_space<semaphore_mem>>
      %dma_start3A_543 = tpu.memref_squeeze %dma_start3A_542 : memref<1x!tpu.dma_semaphore, #tpu.memory_space<semaphore_mem>> -> memref<!tpu.dma_semaphore, #tpu.memory_space<semaphore_mem>>
      %dma_start3A_544 = arith.constant 0 : i32
      %dma_start3A_545 = tpu.memref_slice %arg8[%add3A_536, %dma_start3A_544] : memref<256x96xf32, #tpu.memory_space<vmem>> -> memref<1x96xf32, #tpu.memory_space<vmem>>
      %dma_start3A_546 = arith.constant 0 : i32
      %dma_start3A_547 = tpu.memref_slice %arg3[%squeeze3A_532, %dma_start3A_546] : memref<1000000x96xf32, #tpu.memory_space<hbm>> -> memref<1x96xf32, #tpu.memory_space<hbm>>
      tpu.enqueue_dma source(%dma_start3A_547 : memref<1x96xf32, #tpu.memory_space<hbm>>) target(%dma_start3A_545 : memref<1x96xf32, #tpu.memory_space<vmem>>) target_semaphore(%dma_start3A_543 : memref<!tpu.dma_semaphore, #tpu.memory_space<semaphore_mem>>)
      %dma_start3A_548 = arith.constant 0 : i32
      %dma_start3A_549 = arith.constant 0 : i32
      %dma_start3A_550 = tpu.memref_slice %arg9[%add3A_536, %dma_start3A_549] : memref<256x96xf32, #tpu.memory_space<vmem>> -> memref<1x96xf32, #tpu.memory_space<vmem>>
      %dma_start3A_551 = arith.constant 0 : i32
      %dma_start3A_552 = tpu.memref_slice %arg4[%squeeze3A_532, %dma_start3A_551] : memref<1000000x96xf32, #tpu.memory_space<hbm>> -> memref<1x96xf32, #tpu.memory_space<hbm>>
      %dma_start3A_553 = tpu.memref_slice %arg11[%dma_start3A_548] : memref<2x!tpu.dma_semaphore, #tpu.memory_space<semaphore_mem>> -> memref<1x!tpu.dma_semaphore, #tpu.memory_space<semaphore_mem>>
      %dma_start3A_554 = tpu.memref_squeeze %dma_start3A_553 : memref<1x!tpu.dma_semaphore, #tpu.memory_space<semaphore_mem>> -> memref<!tpu.dma_semaphore, #tpu.memory_space<semaphore_mem>>
      %dma_start3A_555 = arith.constant 0 : i32
      %dma_start3A_556 = tpu.memref_slice %arg9[%add3A_536, %dma_start3A_555] : memref<256x96xf32, #tpu.memory_space<vmem>> -> memref<1x96xf32, #tpu.memory_space<vmem>>
      %dma_start3A_557 = arith.constant 0 : i32
      %dma_start3A_558 = tpu.memref_slice %arg4[%squeeze3A_532, %dma_start3A_557] : memref<1000000x96xf32, #tpu.memory_space<hbm>> -> memref<1x96xf32, #tpu.memory_space<hbm>>
      tpu.enqueue_dma source(%dma_start3A_558 : memref<1x96xf32, #tpu.memory_space<hbm>>) target(%dma_start3A_556 : memref<1x96xf32, #tpu.memory_space<vmem>>) target_semaphore(%dma_start3A_554 : memref<!tpu.dma_semaphore, #tpu.memory_space<semaphore_mem>>)
      %slice3A_559 = vector.extract_strided_slice %get3A_141 {offsets = [15], sizes = [1], strides = [1]} : vector<16xi32> to vector<1xi32>
      %squeeze3A_560 = vector.extract %slice3A_559[0] : i32 from vector<1xi32>
      %mul3A_561 = arith.constant 16 : i32
      %mul3A_562 = arith.muli %scan3A_135, %mul3A_561 : i32
      %add3A_563 = arith.constant 15 : i32
      %add3A_564 = arith.addi %mul3A_562, %add3A_563 : i32
      %dma_start3A_565 = arith.constant 1 : i32
      %dma_start3A_566 = arith.constant 0 : i32
      %dma_start3A_567 = tpu.memref_slice %arg8[%add3A_564, %dma_start3A_566] : memref<256x96xf32, #tpu.memory_space<vmem>> -> memref<1x96xf32, #tpu.memory_space<vmem>>
      %dma_start3A_568 = arith.constant 0 : i32
      %dma_start3A_569 = tpu.memref_slice %arg3[%squeeze3A_560, %dma_start3A_568] : memref<1000000x96xf32, #tpu.memory_space<hbm>> -> memref<1x96xf32, #tpu.memory_space<hbm>>
      %dma_start3A_570 = tpu.memref_slice %arg10[%dma_start3A_565] : memref<2x!tpu.dma_semaphore, #tpu.memory_space<semaphore_mem>> -> memref<1x!tpu.dma_semaphore, #tpu.memory_space<semaphore_mem>>
      %dma_start3A_571 = tpu.memref_squeeze %dma_start3A_570 : memref<1x!tpu.dma_semaphore, #tpu.memory_space<semaphore_mem>> -> memref<!tpu.dma_semaphore, #tpu.memory_space<semaphore_mem>>
      %dma_start3A_572 = arith.constant 0 : i32
      %dma_start3A_573 = tpu.memref_slice %arg8[%add3A_564, %dma_start3A_572] : memref<256x96xf32, #tpu.memory_space<vmem>> -> memref<1x96xf32, #tpu.memory_space<vmem>>
      %dma_start3A_574 = arith.constant 0 : i32
      %dma_start3A_575 = tpu.memref_slice %arg3[%squeeze3A_560, %dma_start3A_574] : memref<1000000x96xf32, #tpu.memory_space<hbm>> -> memref<1x96xf32, #tpu.memory_space<hbm>>
      tpu.enqueue_dma source(%dma_start3A_575 : memref<1x96xf32, #tpu.memory_space<hbm>>) target(%dma_start3A_573 : memref<1x96xf32, #tpu.memory_space<vmem>>) target_semaphore(%dma_start3A_571 : memref<!tpu.dma_semaphore, #tpu.memory_space<semaphore_mem>>)
      %dma_start3A_576 = arith.constant 1 : i32
      %dma_start3A_577 = arith.constant 0 : i32
      %dma_start3A_578 = tpu.memref_slice %arg9[%add3A_564, %dma_start3A_577] : memref<256x96xf32, #tpu.memory_space<vmem>> -> memref<1x96xf32, #tpu.memory_space<vmem>>
      %dma_start3A_579 = arith.constant 0 : i32
      %dma_start3A_580 = tpu.memref_slice %arg4[%squeeze3A_560, %dma_start3A_579] : memref<1000000x96xf32, #tpu.memory_space<hbm>> -> memref<1x96xf32, #tpu.memory_space<hbm>>
      %dma_start3A_581 = tpu.memref_slice %arg11[%dma_start3A_576] : memref<2x!tpu.dma_semaphore, #tpu.memory_space<semaphore_mem>> -> memref<1x!tpu.dma_semaphore, #tpu.memory_space<semaphore_mem>>
      %dma_start3A_582 = tpu.memref_squeeze %dma_start3A_581 : memref<1x!tpu.dma_semaphore, #tpu.memory_space<semaphore_mem>> -> memref<!tpu.dma_semaphore, #tpu.memory_space<semaphore_mem>>
      %dma_start3A_583 = arith.constant 0 : i32
      %dma_start3A_584 = tpu.memref_slice %arg9[%add3A_564, %dma_start3A_583] : memref<256x96xf32, #tpu.memory_space<vmem>> -> memref<1x96xf32, #tpu.memory_space<vmem>>
      %dma_start3A_585 = arith.constant 0 : i32
      %dma_start3A_586 = tpu.memref_slice %arg4[%squeeze3A_560, %dma_start3A_585] : memref<1000000x96xf32, #tpu.memory_space<hbm>> -> memref<1x96xf32, #tpu.memory_space<hbm>>
      tpu.enqueue_dma source(%dma_start3A_586 : memref<1x96xf32, #tpu.memory_space<hbm>>) target(%dma_start3A_584 : memref<1x96xf32, #tpu.memory_space<vmem>>) target_semaphore(%dma_start3A_582 : memref<!tpu.dma_semaphore, #tpu.memory_space<semaphore_mem>>)
    }
    %scan3A_6 = arith.constant 16 : i32
    %dma_wait3A = arith.constant 0 : i32
    %dma_wait3A_7 = arith.constant 0 : i32
    %dma_wait3A_8 = arith.constant 0 : i32
    %dma_wait3A_9 = tpu.memref_slice %arg8[%dma_wait3A_7, %dma_wait3A_8] : memref<256x96xf32, #tpu.memory_space<vmem>> -> memref<128x96xf32, #tpu.memory_space<vmem>>
    %dma_wait3A_10 = arith.constant 0 : i32
    %dma_wait3A_11 = arith.constant 0 : i32
    %dma_wait3A_12 = tpu.memref_slice %arg3[%dma_wait3A_10, %dma_wait3A_11] : memref<1000000x96xf32, #tpu.memory_space<hbm>> -> memref<128x96xf32, #tpu.memory_space<hbm>>
    %dma_wait3A_13 = tpu.memref_slice %arg10[%dma_wait3A] : memref<2x!tpu.dma_semaphore, #tpu.memory_space<semaphore_mem>> -> memref<1x!tpu.dma_semaphore, #tpu.memory_space<semaphore_mem>>
    %dma_wait3A_14 = tpu.memref_squeeze %dma_wait3A_13 : memref<1x!tpu.dma_semaphore, #tpu.memory_space<semaphore_mem>> -> memref<!tpu.dma_semaphore, #tpu.memory_space<semaphore_mem>>
    %dma_wait3A_15 = arith.constant 0 : i32
    %dma_wait3A_16 = arith.constant 0 : i32
    %dma_wait3A_17 = tpu.memref_slice %arg8[%dma_wait3A_15, %dma_wait3A_16] : memref<256x96xf32, #tpu.memory_space<vmem>> -> memref<128x96xf32, #tpu.memory_space<vmem>>
    %dma_wait3A_18 = arith.constant 0 : i32
    %dma_wait3A_19 = arith.constant 0 : i32
    %dma_wait3A_20 = tpu.memref_slice %arg3[%dma_wait3A_18, %dma_wait3A_19] : memref<1000000x96xf32, #tpu.memory_space<hbm>> -> memref<128x96xf32, #tpu.memory_space<hbm>>
    tpu.wait_dma2 semaphore(%dma_wait3A_14 : memref<!tpu.dma_semaphore, #tpu.memory_space<semaphore_mem>>) src(%dma_wait3A_20 : memref<128x96xf32, #tpu.memory_space<hbm>>) dst(%dma_wait3A_17 : memref<128x96xf32, #tpu.memory_space<vmem>>)
    %dma_wait3A_21 = arith.constant 0 : i32
    %dma_wait3A_22 = arith.constant 0 : i32
    %dma_wait3A_23 = arith.constant 0 : i32
    %dma_wait3A_24 = tpu.memref_slice %arg9[%dma_wait3A_22, %dma_wait3A_23] : memref<256x96xf32, #tpu.memory_space<vmem>> -> memref<128x96xf32, #tpu.memory_space<vmem>>
    %dma_wait3A_25 = arith.constant 0 : i32
    %dma_wait3A_26 = arith.constant 0 : i32
    %dma_wait3A_27 = tpu.memref_slice %arg4[%dma_wait3A_25, %dma_wait3A_26] : memref<1000000x96xf32, #tpu.memory_space<hbm>> -> memref<128x96xf32, #tpu.memory_space<hbm>>
    %dma_wait3A_28 = tpu.memref_slice %arg11[%dma_wait3A_21] : memref<2x!tpu.dma_semaphore, #tpu.memory_space<semaphore_mem>> -> memref<1x!tpu.dma_semaphore, #tpu.memory_space<semaphore_mem>>
    %dma_wait3A_29 = tpu.memref_squeeze %dma_wait3A_28 : memref<1x!tpu.dma_semaphore, #tpu.memory_space<semaphore_mem>> -> memref<!tpu.dma_semaphore, #tpu.memory_space<semaphore_mem>>
    %dma_wait3A_30 = arith.constant 0 : i32
    %dma_wait3A_31 = arith.constant 0 : i32
    %dma_wait3A_32 = tpu.memref_slice %arg9[%dma_wait3A_30, %dma_wait3A_31] : memref<256x96xf32, #tpu.memory_space<vmem>> -> memref<128x96xf32, #tpu.memory_space<vmem>>
    %dma_wait3A_33 = arith.constant 0 : i32
    %dma_wait3A_34 = arith.constant 0 : i32
    %dma_wait3A_35 = tpu.memref_slice %arg4[%dma_wait3A_33, %dma_wait3A_34] : memref<1000000x96xf32, #tpu.memory_space<hbm>> -> memref<128x96xf32, #tpu.memory_space<hbm>>
    tpu.wait_dma2 semaphore(%dma_wait3A_29 : memref<!tpu.dma_semaphore, #tpu.memory_space<semaphore_mem>>) src(%dma_wait3A_35 : memref<128x96xf32, #tpu.memory_space<hbm>>) dst(%dma_wait3A_32 : memref<128x96xf32, #tpu.memory_space<vmem>>)
    %dma_wait3A_36 = arith.constant 1 : i32
    %dma_wait3A_37 = arith.constant 0 : i32
    %dma_wait3A_38 = arith.constant 0 : i32
    %dma_wait3A_39 = tpu.memref_slice %arg8[%dma_wait3A_37, %dma_wait3A_38] : memref<256x96xf32, #tpu.memory_space<vmem>> -> memref<128x96xf32, #tpu.memory_space<vmem>>
    %dma_wait3A_40 = arith.constant 0 : i32
    %dma_wait3A_41 = arith.constant 0 : i32
    %dma_wait3A_42 = tpu.memref_slice %arg3[%dma_wait3A_40, %dma_wait3A_41] : memref<1000000x96xf32, #tpu.memory_space<hbm>> -> memref<128x96xf32, #tpu.memory_space<hbm>>
    %dma_wait3A_43 = tpu.memref_slice %arg10[%dma_wait3A_36] : memref<2x!tpu.dma_semaphore, #tpu.memory_space<semaphore_mem>> -> memref<1x!tpu.dma_semaphore, #tpu.memory_space<semaphore_mem>>
    %dma_wait3A_44 = tpu.memref_squeeze %dma_wait3A_43 : memref<1x!tpu.dma_semaphore, #tpu.memory_space<semaphore_mem>> -> memref<!tpu.dma_semaphore, #tpu.memory_space<semaphore_mem>>
    %dma_wait3A_45 = arith.constant 0 : i32
    %dma_wait3A_46 = arith.constant 0 : i32
    %dma_wait3A_47 = tpu.memref_slice %arg8[%dma_wait3A_45, %dma_wait3A_46] : memref<256x96xf32, #tpu.memory_space<vmem>> -> memref<128x96xf32, #tpu.memory_space<vmem>>
    %dma_wait3A_48 = arith.constant 0 : i32
    %dma_wait3A_49 = arith.constant 0 : i32
    %dma_wait3A_50 = tpu.memref_slice %arg3[%dma_wait3A_48, %dma_wait3A_49] : memref<1000000x96xf32, #tpu.memory_space<hbm>> -> memref<128x96xf32, #tpu.memory_space<hbm>>
    tpu.wait_dma2 semaphore(%dma_wait3A_44 : memref<!tpu.dma_semaphore, #tpu.memory_space<semaphore_mem>>) src(%dma_wait3A_50 : memref<128x96xf32, #tpu.memory_space<hbm>>) dst(%dma_wait3A_47 : memref<128x96xf32, #tpu.memory_space<vmem>>)
    %dma_wait3A_51 = arith.constant 1 : i32
    %dma_wait3A_52 = arith.constant 0 : i32
    %dma_wait3A_53 = arith.constant 0 : i32
    %dma_wait3A_54 = tpu.memref_slice %arg9[%dma_wait3A_52, %dma_wait3A_53] : memref<256x96xf32, #tpu.memory_space<vmem>> -> memref<128x96xf32, #tpu.memory_space<vmem>>
    %dma_wait3A_55 = arith.constant 0 : i32
    %dma_wait3A_56 = arith.constant 0 : i32
    %dma_wait3A_57 = tpu.memref_slice %arg4[%dma_wait3A_55, %dma_wait3A_56] : memref<1000000x96xf32, #tpu.memory_space<hbm>> -> memref<128x96xf32, #tpu.memory_space<hbm>>
    %dma_wait3A_58 = tpu.memref_slice %arg11[%dma_wait3A_51] : memref<2x!tpu.dma_semaphore, #tpu.memory_space<semaphore_mem>> -> memref<1x!tpu.dma_semaphore, #tpu.memory_space<semaphore_mem>>
    %dma_wait3A_59 = tpu.memref_squeeze %dma_wait3A_58 : memref<1x!tpu.dma_semaphore, #tpu.memory_space<semaphore_mem>> -> memref<!tpu.dma_semaphore, #tpu.memory_space<semaphore_mem>>
    %dma_wait3A_60 = arith.constant 0 : i32
    %dma_wait3A_61 = arith.constant 0 : i32
    %dma_wait3A_62 = tpu.memref_slice %arg9[%dma_wait3A_60, %dma_wait3A_61] : memref<256x96xf32, #tpu.memory_space<vmem>> -> memref<128x96xf32, #tpu.memory_space<vmem>>
    %dma_wait3A_63 = arith.constant 0 : i32
    %dma_wait3A_64 = arith.constant 0 : i32
    %dma_wait3A_65 = tpu.memref_slice %arg4[%dma_wait3A_63, %dma_wait3A_64] : memref<1000000x96xf32, #tpu.memory_space<hbm>> -> memref<128x96xf32, #tpu.memory_space<hbm>>
    tpu.wait_dma2 semaphore(%dma_wait3A_59 : memref<!tpu.dma_semaphore, #tpu.memory_space<semaphore_mem>>) src(%dma_wait3A_65 : memref<128x96xf32, #tpu.memory_space<hbm>>) dst(%dma_wait3A_62 : memref<128x96xf32, #tpu.memory_space<vmem>>)
    %add3A_66 = arith.constant 0 : i32
    %add3A_67 = arith.addi %mul3A_2, %add3A_66 : i32
    "tpu.region"() ({
      %run_scoped3A = tpu.sem_alloc : memref<!tpu.dma_semaphore, #tpu.memory_space<semaphore_mem>>
      %dma_start3A = arith.constant 0 : i32
      %dma_start3A_135 = tpu.memref_slice %arg5[%add3A_67, %dma_start3A] : memref<16384x96xf32, #tpu.memory_space<hbm>> -> memref<256x96xf32, #tpu.memory_space<hbm>>
      %dma_start3A_136 = arith.constant 0 : i32
      %dma_start3A_137 = tpu.memref_slice %arg5[%add3A_67, %dma_start3A_136] : memref<16384x96xf32, #tpu.memory_space<hbm>> -> memref<256x96xf32, #tpu.memory_space<hbm>>
      tpu.enqueue_dma source(%arg8 : memref<256x96xf32, #tpu.memory_space<vmem>>) target(%dma_start3A_137 : memref<256x96xf32, #tpu.memory_space<hbm>>) target_semaphore(%run_scoped3A : memref<!tpu.dma_semaphore, #tpu.memory_space<semaphore_mem>>)
      %dma_wait3A_138 = arith.constant 0 : i32
      %dma_wait3A_139 = tpu.memref_slice %arg5[%add3A_67, %dma_wait3A_138] : memref<16384x96xf32, #tpu.memory_space<hbm>> -> memref<256x96xf32, #tpu.memory_space<hbm>>
      %dma_wait3A_140 = arith.constant 0 : i32
      %dma_wait3A_141 = tpu.memref_slice %arg5[%add3A_67, %dma_wait3A_140] : memref<16384x96xf32, #tpu.memory_space<hbm>> -> memref<256x96xf32, #tpu.memory_space<hbm>>
      tpu.wait_dma2 semaphore(%run_scoped3A : memref<!tpu.dma_semaphore, #tpu.memory_space<semaphore_mem>>) src(%arg8 : memref<256x96xf32, #tpu.memory_space<vmem>>) dst(%dma_wait3A_141 : memref<256x96xf32, #tpu.memory_space<hbm>>)
      tpu.yield
    }) : () -> ()
    "tpu.region"() ({
      %run_scoped3A = tpu.sem_alloc : memref<!tpu.dma_semaphore, #tpu.memory_space<semaphore_mem>>
      %dma_start3A = arith.constant 0 : i32
      %dma_start3A_135 = tpu.memref_slice %arg6[%add3A_67, %dma_start3A] : memref<16384x96xf32, #tpu.memory_space<hbm>> -> memref<256x96xf32, #tpu.memory_space<hbm>>
      %dma_start3A_136 = arith.constant 0 : i32
      %dma_start3A_137 = tpu.memref_slice %arg6[%add3A_67, %dma_start3A_136] : memref<16384x96xf32, #tpu.memory_space<hbm>> -> memref<256x96xf32, #tpu.memory_space<hbm>>
      tpu.enqueue_dma source(%arg9 : memref<256x96xf32, #tpu.memory_space<vmem>>) target(%dma_start3A_137 : memref<256x96xf32, #tpu.memory_space<hbm>>) target_semaphore(%run_scoped3A : memref<!tpu.dma_semaphore, #tpu.memory_space<semaphore_mem>>)
      %dma_wait3A_138 = arith.constant 0 : i32
      %dma_wait3A_139 = tpu.memref_slice %arg6[%add3A_67, %dma_wait3A_138] : memref<16384x96xf32, #tpu.memory_space<hbm>> -> memref<256x96xf32, #tpu.memory_space<hbm>>
      %dma_wait3A_140 = arith.constant 0 : i32
      %dma_wait3A_141 = tpu.memref_slice %arg6[%add3A_67, %dma_wait3A_140] : memref<16384x96xf32, #tpu.memory_space<hbm>> -> memref<256x96xf32, #tpu.memory_space<hbm>>
      tpu.wait_dma2 semaphore(%run_scoped3A : memref<!tpu.dma_semaphore, #tpu.memory_space<semaphore_mem>>) src(%arg9 : memref<256x96xf32, #tpu.memory_space<vmem>>) dst(%dma_wait3A_141 : memref<256x96xf32, #tpu.memory_space<hbm>>)
      tpu.yield
    }) : () -> ()
    %scan3A_68 = arith.constant 0 : i32
    %scan3A_69 = arith.constant 16 : i32
    %scan3A_70 = arith.addi %scan3A_68, %scan3A_69 : i32
    %scan3A_71 = arith.constant 1 : i32
    scf.for %scan3A_135 = %scan3A_68 to %scan3A_70 step %scan3A_71  : i32 {
      %mul3A_136 = arith.constant 16 : i32
      %mul3A_137 = arith.muli %scan3A_135, %mul3A_136 : i32
      %add3A_138 = arith.constant 256 : i32
      %add3A_139 = arith.addi %add3A_138, %mul3A_137 : i32
      %get3A = arith.index_cast %add3A_139 : i32 to index
      %get3A_140 = tpu.vector_load %arg7[%get3A] {strides = array<i32>} : memref<512xi32, #tpu.memory_space<vmem>>, vector<16xi32>,
      %get3A_141 = vector.shape_cast %get3A_140 : vector<16xi32> to vector<16xi32>
      %slice3A = vector.extract_strided_slice %get3A_141 {offsets = [0], sizes = [1], strides = [1]} : vector<16xi32> to vector<1xi32>
      %squeeze3A = vector.extract %slice3A[0] : i32 from vector<1xi32>
      %mul3A_142 = arith.constant 16 : i32
      %mul3A_143 = arith.muli %scan3A_135, %mul3A_142 : i32
      %add3A_144 = arith.constant 0 : i32
      %add3A_145 = arith.addi %mul3A_143, %add3A_144 : i32
      %dma_start3A = arith.constant 0 : i32
      %dma_start3A_146 = arith.constant 0 : i32
      %dma_start3A_147 = tpu.memref_slice %arg8[%add3A_145, %dma_start3A_146] : memref<256x96xf32, #tpu.memory_space<vmem>> -> memref<1x96xf32, #tpu.memory_space<vmem>>
      %dma_start3A_148 = arith.constant 0 : i32
      %dma_start3A_149 = tpu.memref_slice %arg3[%squeeze3A, %dma_start3A_148] : memref<1000000x96xf32, #tpu.memory_space<hbm>> -> memref<1x96xf32, #tpu.memory_space<hbm>>
      %dma_start3A_150 = tpu.memref_slice %arg10[%dma_start3A] : memref<2x!tpu.dma_semaphore, #tpu.memory_space<semaphore_mem>> -> memref<1x!tpu.dma_semaphore, #tpu.memory_space<semaphore_mem>>
      %dma_start3A_151 = tpu.memref_squeeze %dma_start3A_150 : memref<1x!tpu.dma_semaphore, #tpu.memory_space<semaphore_mem>> -> memref<!tpu.dma_semaphore, #tpu.memory_space<semaphore_mem>>
      %dma_start3A_152 = arith.constant 0 : i32
      %dma_start3A_153 = tpu.memref_slice %arg8[%add3A_145, %dma_start3A_152] : memref<256x96xf32, #tpu.memory_space<vmem>> -> memref<1x96xf32, #tpu.memory_space<vmem>>
      %dma_start3A_154 = arith.constant 0 : i32
      %dma_start3A_155 = tpu.memref_slice %arg3[%squeeze3A, %dma_start3A_154] : memref<1000000x96xf32, #tpu.memory_space<hbm>> -> memref<1x96xf32, #tpu.memory_space<hbm>>
      tpu.enqueue_dma source(%dma_start3A_155 : memref<1x96xf32, #tpu.memory_space<hbm>>) target(%dma_start3A_153 : memref<1x96xf32, #tpu.memory_space<vmem>>) target_semaphore(%dma_start3A_151 : memref<!tpu.dma_semaphore, #tpu.memory_space<semaphore_mem>>)
      %dma_start3A_156 = arith.constant 0 : i32
      %dma_start3A_157 = arith.constant 0 : i32
      %dma_start3A_158 = tpu.memref_slice %arg9[%add3A_145, %dma_start3A_157] : memref<256x96xf32, #tpu.memory_space<vmem>> -> memref<1x96xf32, #tpu.memory_space<vmem>>
      %dma_start3A_159 = arith.constant 0 : i32
      %dma_start3A_160 = tpu.memref_slice %arg4[%squeeze3A, %dma_start3A_159] : memref<1000000x96xf32, #tpu.memory_space<hbm>> -> memref<1x96xf32, #tpu.memory_space<hbm>>
      %dma_start3A_161 = tpu.memref_slice %arg11[%dma_start3A_156] : memref<2x!tpu.dma_semaphore, #tpu.memory_space<semaphore_mem>> -> memref<1x!tpu.dma_semaphore, #tpu.memory_space<semaphore_mem>>
      %dma_start3A_162 = tpu.memref_squeeze %dma_start3A_161 : memref<1x!tpu.dma_semaphore, #tpu.memory_space<semaphore_mem>> -> memref<!tpu.dma_semaphore, #tpu.memory_space<semaphore_mem>>
      %dma_start3A_163 = arith.constant 0 : i32
      %dma_start3A_164 = tpu.memref_slice %arg9[%add3A_145, %dma_start3A_163] : memref<256x96xf32, #tpu.memory_space<vmem>> -> memref<1x96xf32, #tpu.memory_space<vmem>>
      %dma_start3A_165 = arith.constant 0 : i32
      %dma_start3A_166 = tpu.memref_slice %arg4[%squeeze3A, %dma_start3A_165] : memref<1000000x96xf32, #tpu.memory_space<hbm>> -> memref<1x96xf32, #tpu.memory_space<hbm>>
      tpu.enqueue_dma source(%dma_start3A_166 : memref<1x96xf32, #tpu.memory_space<hbm>>) target(%dma_start3A_164 : memref<1x96xf32, #tpu.memory_space<vmem>>) target_semaphore(%dma_start3A_162 : memref<!tpu.dma_semaphore, #tpu.memory_space<semaphore_mem>>)
      %slice3A_167 = vector.extract_strided_slice %get3A_141 {offsets = [1], sizes = [1], strides = [1]} : vector<16xi32> to vector<1xi32>
      %squeeze3A_168 = vector.extract %slice3A_167[0] : i32 from vector<1xi32>
      %mul3A_169 = arith.constant 16 : i32
      %mul3A_170 = arith.muli %scan3A_135, %mul3A_169 : i32
      %add3A_171 = arith.constant 1 : i32
      %add3A_172 = arith.addi %mul3A_170, %add3A_171 : i32
      %dma_start3A_173 = arith.constant 1 : i32
      %dma_start3A_174 = arith.constant 0 : i32
      %dma_start3A_175 = tpu.memref_slice %arg8[%add3A_172, %dma_start3A_174] : memref<256x96xf32, #tpu.memory_space<vmem>> -> memref<1x96xf32, #tpu.memory_space<vmem>>
      %dma_start3A_176 = arith.constant 0 : i32
      %dma_start3A_177 = tpu.memref_slice %arg3[%squeeze3A_168, %dma_start3A_176] : memref<1000000x96xf32, #tpu.memory_space<hbm>> -> memref<1x96xf32, #tpu.memory_space<hbm>>
      %dma_start3A_178 = tpu.memref_slice %arg10[%dma_start3A_173] : memref<2x!tpu.dma_semaphore, #tpu.memory_space<semaphore_mem>> -> memref<1x!tpu.dma_semaphore, #tpu.memory_space<semaphore_mem>>
      %dma_start3A_179 = tpu.memref_squeeze %dma_start3A_178 : memref<1x!tpu.dma_semaphore, #tpu.memory_space<semaphore_mem>> -> memref<!tpu.dma_semaphore, #tpu.memory_space<semaphore_mem>>
      %dma_start3A_180 = arith.constant 0 : i32
      %dma_start3A_181 = tpu.memref_slice %arg8[%add3A_172, %dma_start3A_180] : memref<256x96xf32, #tpu.memory_space<vmem>> -> memref<1x96xf32, #tpu.memory_space<vmem>>
      %dma_start3A_182 = arith.constant 0 : i32
      %dma_start3A_183 = tpu.memref_slice %arg3[%squeeze3A_168, %dma_start3A_182] : memref<1000000x96xf32, #tpu.memory_space<hbm>> -> memref<1x96xf32, #tpu.memory_space<hbm>>
      tpu.enqueue_dma source(%dma_start3A_183 : memref<1x96xf32, #tpu.memory_space<hbm>>) target(%dma_start3A_181 : memref<1x96xf32, #tpu.memory_space<vmem>>) target_semaphore(%dma_start3A_179 : memref<!tpu.dma_semaphore, #tpu.memory_space<semaphore_mem>>)
      %dma_start3A_184 = arith.constant 1 : i32
      %dma_start3A_185 = arith.constant 0 : i32
      %dma_start3A_186 = tpu.memref_slice %arg9[%add3A_172, %dma_start3A_185] : memref<256x96xf32, #tpu.memory_space<vmem>> -> memref<1x96xf32, #tpu.memory_space<vmem>>
      %dma_start3A_187 = arith.constant 0 : i32
      %dma_start3A_188 = tpu.memref_slice %arg4[%squeeze3A_168, %dma_start3A_187] : memref<1000000x96xf32, #tpu.memory_space<hbm>> -> memref<1x96xf32, #tpu.memory_space<hbm>>
      %dma_start3A_189 = tpu.memref_slice %arg11[%dma_start3A_184] : memref<2x!tpu.dma_semaphore, #tpu.memory_space<semaphore_mem>> -> memref<1x!tpu.dma_semaphore, #tpu.memory_space<semaphore_mem>>
      %dma_start3A_190 = tpu.memref_squeeze %dma_start3A_189 : memref<1x!tpu.dma_semaphore, #tpu.memory_space<semaphore_mem>> -> memref<!tpu.dma_semaphore, #tpu.memory_space<semaphore_mem>>
      %dma_start3A_191 = arith.constant 0 : i32
      %dma_start3A_192 = tpu.memref_slice %arg9[%add3A_172, %dma_start3A_191] : memref<256x96xf32, #tpu.memory_space<vmem>> -> memref<1x96xf32, #tpu.memory_space<vmem>>
      %dma_start3A_193 = arith.constant 0 : i32
      %dma_start3A_194 = tpu.memref_slice %arg4[%squeeze3A_168, %dma_start3A_193] : memref<1000000x96xf32, #tpu.memory_space<hbm>> -> memref<1x96xf32, #tpu.memory_space<hbm>>
      tpu.enqueue_dma source(%dma_start3A_194 : memref<1x96xf32, #tpu.memory_space<hbm>>) target(%dma_start3A_192 : memref<1x96xf32, #tpu.memory_space<vmem>>) target_semaphore(%dma_start3A_190 : memref<!tpu.dma_semaphore, #tpu.memory_space<semaphore_mem>>)
      %slice3A_195 = vector.extract_strided_slice %get3A_141 {offsets = [2], sizes = [1], strides = [1]} : vector<16xi32> to vector<1xi32>
      %squeeze3A_196 = vector.extract %slice3A_195[0] : i32 from vector<1xi32>
      %mul3A_197 = arith.constant 16 : i32
      %mul3A_198 = arith.muli %scan3A_135, %mul3A_197 : i32
      %add3A_199 = arith.constant 2 : i32
      %add3A_200 = arith.addi %mul3A_198, %add3A_199 : i32
      %dma_start3A_201 = arith.constant 0 : i32
      %dma_start3A_202 = arith.constant 0 : i32
      %dma_start3A_203 = tpu.memref_slice %arg8[%add3A_200, %dma_start3A_202] : memref<256x96xf32, #tpu.memory_space<vmem>> -> memref<1x96xf32, #tpu.memory_space<vmem>>
      %dma_start3A_204 = arith.constant 0 : i32
      %dma_start3A_205 = tpu.memref_slice %arg3[%squeeze3A_196, %dma_start3A_204] : memref<1000000x96xf32, #tpu.memory_space<hbm>> -> memref<1x96xf32, #tpu.memory_space<hbm>>
      %dma_start3A_206 = tpu.memref_slice %arg10[%dma_start3A_201] : memref<2x!tpu.dma_semaphore, #tpu.memory_space<semaphore_mem>> -> memref<1x!tpu.dma_semaphore, #tpu.memory_space<semaphore_mem>>
      %dma_start3A_207 = tpu.memref_squeeze %dma_start3A_206 : memref<1x!tpu.dma_semaphore, #tpu.memory_space<semaphore_mem>> -> memref<!tpu.dma_semaphore, #tpu.memory_space<semaphore_mem>>
      %dma_start3A_208 = arith.constant 0 : i32
      %dma_start3A_209 = tpu.memref_slice %arg8[%add3A_200, %dma_start3A_208] : memref<256x96xf32, #tpu.memory_space<vmem>> -> memref<1x96xf32, #tpu.memory_space<vmem>>
      %dma_start3A_210 = arith.constant 0 : i32
      %dma_start3A_211 = tpu.memref_slice %arg3[%squeeze3A_196, %dma_start3A_210] : memref<1000000x96xf32, #tpu.memory_space<hbm>> -> memref<1x96xf32, #tpu.memory_space<hbm>>
      tpu.enqueue_dma source(%dma_start3A_211 : memref<1x96xf32, #tpu.memory_space<hbm>>) target(%dma_start3A_209 : memref<1x96xf32, #tpu.memory_space<vmem>>) target_semaphore(%dma_start3A_207 : memref<!tpu.dma_semaphore, #tpu.memory_space<semaphore_mem>>)
      %dma_start3A_212 = arith.constant 0 : i32
      %dma_start3A_213 = arith.constant 0 : i32
      %dma_start3A_214 = tpu.memref_slice %arg9[%add3A_200, %dma_start3A_213] : memref<256x96xf32, #tpu.memory_space<vmem>> -> memref<1x96xf32, #tpu.memory_space<vmem>>
      %dma_start3A_215 = arith.constant 0 : i32
      %dma_start3A_216 = tpu.memref_slice %arg4[%squeeze3A_196, %dma_start3A_215] : memref<1000000x96xf32, #tpu.memory_space<hbm>> -> memref<1x96xf32, #tpu.memory_space<hbm>>
      %dma_start3A_217 = tpu.memref_slice %arg11[%dma_start3A_212] : memref<2x!tpu.dma_semaphore, #tpu.memory_space<semaphore_mem>> -> memref<1x!tpu.dma_semaphore, #tpu.memory_space<semaphore_mem>>
      %dma_start3A_218 = tpu.memref_squeeze %dma_start3A_217 : memref<1x!tpu.dma_semaphore, #tpu.memory_space<semaphore_mem>> -> memref<!tpu.dma_semaphore, #tpu.memory_space<semaphore_mem>>
      %dma_start3A_219 = arith.constant 0 : i32
      %dma_start3A_220 = tpu.memref_slice %arg9[%add3A_200, %dma_start3A_219] : memref<256x96xf32, #tpu.memory_space<vmem>> -> memref<1x96xf32, #tpu.memory_space<vmem>>
      %dma_start3A_221 = arith.constant 0 : i32
      %dma_start3A_222 = tpu.memref_slice %arg4[%squeeze3A_196, %dma_start3A_221] : memref<1000000x96xf32, #tpu.memory_space<hbm>> -> memref<1x96xf32, #tpu.memory_space<hbm>>
      tpu.enqueue_dma source(%dma_start3A_222 : memref<1x96xf32, #tpu.memory_space<hbm>>) target(%dma_start3A_220 : memref<1x96xf32, #tpu.memory_space<vmem>>) target_semaphore(%dma_start3A_218 : memref<!tpu.dma_semaphore, #tpu.memory_space<semaphore_mem>>)
      %slice3A_223 = vector.extract_strided_slice %get3A_141 {offsets = [3], sizes = [1], strides = [1]} : vector<16xi32> to vector<1xi32>
      %squeeze3A_224 = vector.extract %slice3A_223[0] : i32 from vector<1xi32>
      %mul3A_225 = arith.constant 16 : i32
      %mul3A_226 = arith.muli %scan3A_135, %mul3A_225 : i32
      %add3A_227 = arith.constant 3 : i32
      %add3A_228 = arith.addi %mul3A_226, %add3A_227 : i32
      %dma_start3A_229 = arith.constant 1 : i32
      %dma_start3A_230 = arith.constant 0 : i32
      %dma_start3A_231 = tpu.memref_slice %arg8[%add3A_228, %dma_start3A_230] : memref<256x96xf32, #tpu.memory_space<vmem>> -> memref<1x96xf32, #tpu.memory_space<vmem>>
      %dma_start3A_232 = arith.constant 0 : i32
      %dma_start3A_233 = tpu.memref_slice %arg3[%squeeze3A_224, %dma_start3A_232] : memref<1000000x96xf32, #tpu.memory_space<hbm>> -> memref<1x96xf32, #tpu.memory_space<hbm>>
      %dma_start3A_234 = tpu.memref_slice %arg10[%dma_start3A_229] : memref<2x!tpu.dma_semaphore, #tpu.memory_space<semaphore_mem>> -> memref<1x!tpu.dma_semaphore, #tpu.memory_space<semaphore_mem>>
      %dma_start3A_235 = tpu.memref_squeeze %dma_start3A_234 : memref<1x!tpu.dma_semaphore, #tpu.memory_space<semaphore_mem>> -> memref<!tpu.dma_semaphore, #tpu.memory_space<semaphore_mem>>
      %dma_start3A_236 = arith.constant 0 : i32
      %dma_start3A_237 = tpu.memref_slice %arg8[%add3A_228, %dma_start3A_236] : memref<256x96xf32, #tpu.memory_space<vmem>> -> memref<1x96xf32, #tpu.memory_space<vmem>>
      %dma_start3A_238 = arith.constant 0 : i32
      %dma_start3A_239 = tpu.memref_slice %arg3[%squeeze3A_224, %dma_start3A_238] : memref<1000000x96xf32, #tpu.memory_space<hbm>> -> memref<1x96xf32, #tpu.memory_space<hbm>>
      tpu.enqueue_dma source(%dma_start3A_239 : memref<1x96xf32, #tpu.memory_space<hbm>>) target(%dma_start3A_237 : memref<1x96xf32, #tpu.memory_space<vmem>>) target_semaphore(%dma_start3A_235 : memref<!tpu.dma_semaphore, #tpu.memory_space<semaphore_mem>>)
      %dma_start3A_240 = arith.constant 1 : i32
      %dma_start3A_241 = arith.constant 0 : i32
      %dma_start3A_242 = tpu.memref_slice %arg9[%add3A_228, %dma_start3A_241] : memref<256x96xf32, #tpu.memory_space<vmem>> -> memref<1x96xf32, #tpu.memory_space<vmem>>
      %dma_start3A_243 = arith.constant 0 : i32
      %dma_start3A_244 = tpu.memref_slice %arg4[%squeeze3A_224, %dma_start3A_243] : memref<1000000x96xf32, #tpu.memory_space<hbm>> -> memref<1x96xf32, #tpu.memory_space<hbm>>
      %dma_start3A_245 = tpu.memref_slice %arg11[%dma_start3A_240] : memref<2x!tpu.dma_semaphore, #tpu.memory_space<semaphore_mem>> -> memref<1x!tpu.dma_semaphore, #tpu.memory_space<semaphore_mem>>
      %dma_start3A_246 = tpu.memref_squeeze %dma_start3A_245 : memref<1x!tpu.dma_semaphore, #tpu.memory_space<semaphore_mem>> -> memref<!tpu.dma_semaphore, #tpu.memory_space<semaphore_mem>>
      %dma_start3A_247 = arith.constant 0 : i32
      %dma_start3A_248 = tpu.memref_slice %arg9[%add3A_228, %dma_start3A_247] : memref<256x96xf32, #tpu.memory_space<vmem>> -> memref<1x96xf32, #tpu.memory_space<vmem>>
      %dma_start3A_249 = arith.constant 0 : i32
      %dma_start3A_250 = tpu.memref_slice %arg4[%squeeze3A_224, %dma_start3A_249] : memref<1000000x96xf32, #tpu.memory_space<hbm>> -> memref<1x96xf32, #tpu.memory_space<hbm>>
      tpu.enqueue_dma source(%dma_start3A_250 : memref<1x96xf32, #tpu.memory_space<hbm>>) target(%dma_start3A_248 : memref<1x96xf32, #tpu.memory_space<vmem>>) target_semaphore(%dma_start3A_246 : memref<!tpu.dma_semaphore, #tpu.memory_space<semaphore_mem>>)
      %slice3A_251 = vector.extract_strided_slice %get3A_141 {offsets = [4], sizes = [1], strides = [1]} : vector<16xi32> to vector<1xi32>
      %squeeze3A_252 = vector.extract %slice3A_251[0] : i32 from vector<1xi32>
      %mul3A_253 = arith.constant 16 : i32
      %mul3A_254 = arith.muli %scan3A_135, %mul3A_253 : i32
      %add3A_255 = arith.constant 4 : i32
      %add3A_256 = arith.addi %mul3A_254, %add3A_255 : i32
      %dma_start3A_257 = arith.constant 0 : i32
      %dma_start3A_258 = arith.constant 0 : i32
      %dma_start3A_259 = tpu.memref_slice %arg8[%add3A_256, %dma_start3A_258] : memref<256x96xf32, #tpu.memory_space<vmem>> -> memref<1x96xf32, #tpu.memory_space<vmem>>
      %dma_start3A_260 = arith.constant 0 : i32
      %dma_start3A_261 = tpu.memref_slice %arg3[%squeeze3A_252, %dma_start3A_260] : memref<1000000x96xf32, #tpu.memory_space<hbm>> -> memref<1x96xf32, #tpu.memory_space<hbm>>
      %dma_start3A_262 = tpu.memref_slice %arg10[%dma_start3A_257] : memref<2x!tpu.dma_semaphore, #tpu.memory_space<semaphore_mem>> -> memref<1x!tpu.dma_semaphore, #tpu.memory_space<semaphore_mem>>
      %dma_start3A_263 = tpu.memref_squeeze %dma_start3A_262 : memref<1x!tpu.dma_semaphore, #tpu.memory_space<semaphore_mem>> -> memref<!tpu.dma_semaphore, #tpu.memory_space<semaphore_mem>>
      %dma_start3A_264 = arith.constant 0 : i32
      %dma_start3A_265 = tpu.memref_slice %arg8[%add3A_256, %dma_start3A_264] : memref<256x96xf32, #tpu.memory_space<vmem>> -> memref<1x96xf32, #tpu.memory_space<vmem>>
      %dma_start3A_266 = arith.constant 0 : i32
      %dma_start3A_267 = tpu.memref_slice %arg3[%squeeze3A_252, %dma_start3A_266] : memref<1000000x96xf32, #tpu.memory_space<hbm>> -> memref<1x96xf32, #tpu.memory_space<hbm>>
      tpu.enqueue_dma source(%dma_start3A_267 : memref<1x96xf32, #tpu.memory_space<hbm>>) target(%dma_start3A_265 : memref<1x96xf32, #tpu.memory_space<vmem>>) target_semaphore(%dma_start3A_263 : memref<!tpu.dma_semaphore, #tpu.memory_space<semaphore_mem>>)
      %dma_start3A_268 = arith.constant 0 : i32
      %dma_start3A_269 = arith.constant 0 : i32
      %dma_start3A_270 = tpu.memref_slice %arg9[%add3A_256, %dma_start3A_269] : memref<256x96xf32, #tpu.memory_space<vmem>> -> memref<1x96xf32, #tpu.memory_space<vmem>>
      %dma_start3A_271 = arith.constant 0 : i32
      %dma_start3A_272 = tpu.memref_slice %arg4[%squeeze3A_252, %dma_start3A_271] : memref<1000000x96xf32, #tpu.memory_space<hbm>> -> memref<1x96xf32, #tpu.memory_space<hbm>>
      %dma_start3A_273 = tpu.memref_slice %arg11[%dma_start3A_268] : memref<2x!tpu.dma_semaphore, #tpu.memory_space<semaphore_mem>> -> memref<1x!tpu.dma_semaphore, #tpu.memory_space<semaphore_mem>>
      %dma_start3A_274 = tpu.memref_squeeze %dma_start3A_273 : memref<1x!tpu.dma_semaphore, #tpu.memory_space<semaphore_mem>> -> memref<!tpu.dma_semaphore, #tpu.memory_space<semaphore_mem>>
      %dma_start3A_275 = arith.constant 0 : i32
      %dma_start3A_276 = tpu.memref_slice %arg9[%add3A_256, %dma_start3A_275] : memref<256x96xf32, #tpu.memory_space<vmem>> -> memref<1x96xf32, #tpu.memory_space<vmem>>
      %dma_start3A_277 = arith.constant 0 : i32
      %dma_start3A_278 = tpu.memref_slice %arg4[%squeeze3A_252, %dma_start3A_277] : memref<1000000x96xf32, #tpu.memory_space<hbm>> -> memref<1x96xf32, #tpu.memory_space<hbm>>
      tpu.enqueue_dma source(%dma_start3A_278 : memref<1x96xf32, #tpu.memory_space<hbm>>) target(%dma_start3A_276 : memref<1x96xf32, #tpu.memory_space<vmem>>) target_semaphore(%dma_start3A_274 : memref<!tpu.dma_semaphore, #tpu.memory_space<semaphore_mem>>)
      %slice3A_279 = vector.extract_strided_slice %get3A_141 {offsets = [5], sizes = [1], strides = [1]} : vector<16xi32> to vector<1xi32>
      %squeeze3A_280 = vector.extract %slice3A_279[0] : i32 from vector<1xi32>
      %mul3A_281 = arith.constant 16 : i32
      %mul3A_282 = arith.muli %scan3A_135, %mul3A_281 : i32
      %add3A_283 = arith.constant 5 : i32
      %add3A_284 = arith.addi %mul3A_282, %add3A_283 : i32
      %dma_start3A_285 = arith.constant 1 : i32
      %dma_start3A_286 = arith.constant 0 : i32
      %dma_start3A_287 = tpu.memref_slice %arg8[%add3A_284, %dma_start3A_286] : memref<256x96xf32, #tpu.memory_space<vmem>> -> memref<1x96xf32, #tpu.memory_space<vmem>>
      %dma_start3A_288 = arith.constant 0 : i32
      %dma_start3A_289 = tpu.memref_slice %arg3[%squeeze3A_280, %dma_start3A_288] : memref<1000000x96xf32, #tpu.memory_space<hbm>> -> memref<1x96xf32, #tpu.memory_space<hbm>>
      %dma_start3A_290 = tpu.memref_slice %arg10[%dma_start3A_285] : memref<2x!tpu.dma_semaphore, #tpu.memory_space<semaphore_mem>> -> memref<1x!tpu.dma_semaphore, #tpu.memory_space<semaphore_mem>>
      %dma_start3A_291 = tpu.memref_squeeze %dma_start3A_290 : memref<1x!tpu.dma_semaphore, #tpu.memory_space<semaphore_mem>> -> memref<!tpu.dma_semaphore, #tpu.memory_space<semaphore_mem>>
      %dma_start3A_292 = arith.constant 0 : i32
      %dma_start3A_293 = tpu.memref_slice %arg8[%add3A_284, %dma_start3A_292] : memref<256x96xf32, #tpu.memory_space<vmem>> -> memref<1x96xf32, #tpu.memory_space<vmem>>
      %dma_start3A_294 = arith.constant 0 : i32
      %dma_start3A_295 = tpu.memref_slice %arg3[%squeeze3A_280, %dma_start3A_294] : memref<1000000x96xf32, #tpu.memory_space<hbm>> -> memref<1x96xf32, #tpu.memory_space<hbm>>
      tpu.enqueue_dma source(%dma_start3A_295 : memref<1x96xf32, #tpu.memory_space<hbm>>) target(%dma_start3A_293 : memref<1x96xf32, #tpu.memory_space<vmem>>) target_semaphore(%dma_start3A_291 : memref<!tpu.dma_semaphore, #tpu.memory_space<semaphore_mem>>)
      %dma_start3A_296 = arith.constant 1 : i32
      %dma_start3A_297 = arith.constant 0 : i32
      %dma_start3A_298 = tpu.memref_slice %arg9[%add3A_284, %dma_start3A_297] : memref<256x96xf32, #tpu.memory_space<vmem>> -> memref<1x96xf32, #tpu.memory_space<vmem>>
      %dma_start3A_299 = arith.constant 0 : i32
      %dma_start3A_300 = tpu.memref_slice %arg4[%squeeze3A_280, %dma_start3A_299] : memref<1000000x96xf32, #tpu.memory_space<hbm>> -> memref<1x96xf32, #tpu.memory_space<hbm>>
      %dma_start3A_301 = tpu.memref_slice %arg11[%dma_start3A_296] : memref<2x!tpu.dma_semaphore, #tpu.memory_space<semaphore_mem>> -> memref<1x!tpu.dma_semaphore, #tpu.memory_space<semaphore_mem>>
      %dma_start3A_302 = tpu.memref_squeeze %dma_start3A_301 : memref<1x!tpu.dma_semaphore, #tpu.memory_space<semaphore_mem>> -> memref<!tpu.dma_semaphore, #tpu.memory_space<semaphore_mem>>
      %dma_start3A_303 = arith.constant 0 : i32
      %dma_start3A_304 = tpu.memref_slice %arg9[%add3A_284, %dma_start3A_303] : memref<256x96xf32, #tpu.memory_space<vmem>> -> memref<1x96xf32, #tpu.memory_space<vmem>>
      %dma_start3A_305 = arith.constant 0 : i32
      %dma_start3A_306 = tpu.memref_slice %arg4[%squeeze3A_280, %dma_start3A_305] : memref<1000000x96xf32, #tpu.memory_space<hbm>> -> memref<1x96xf32, #tpu.memory_space<hbm>>
      tpu.enqueue_dma source(%dma_start3A_306 : memref<1x96xf32, #tpu.memory_space<hbm>>) target(%dma_start3A_304 : memref<1x96xf32, #tpu.memory_space<vmem>>) target_semaphore(%dma_start3A_302 : memref<!tpu.dma_semaphore, #tpu.memory_space<semaphore_mem>>)
      %slice3A_307 = vector.extract_strided_slice %get3A_141 {offsets = [6], sizes = [1], strides = [1]} : vector<16xi32> to vector<1xi32>
      %squeeze3A_308 = vector.extract %slice3A_307[0] : i32 from vector<1xi32>
      %mul3A_309 = arith.constant 16 : i32
      %mul3A_310 = arith.muli %scan3A_135, %mul3A_309 : i32
      %add3A_311 = arith.constant 6 : i32
      %add3A_312 = arith.addi %mul3A_310, %add3A_311 : i32
      %dma_start3A_313 = arith.constant 0 : i32
      %dma_start3A_314 = arith.constant 0 : i32
      %dma_start3A_315 = tpu.memref_slice %arg8[%add3A_312, %dma_start3A_314] : memref<256x96xf32, #tpu.memory_space<vmem>> -> memref<1x96xf32, #tpu.memory_space<vmem>>
      %dma_start3A_316 = arith.constant 0 : i32
      %dma_start3A_317 = tpu.memref_slice %arg3[%squeeze3A_308, %dma_start3A_316] : memref<1000000x96xf32, #tpu.memory_space<hbm>> -> memref<1x96xf32, #tpu.memory_space<hbm>>
      %dma_start3A_318 = tpu.memref_slice %arg10[%dma_start3A_313] : memref<2x!tpu.dma_semaphore, #tpu.memory_space<semaphore_mem>> -> memref<1x!tpu.dma_semaphore, #tpu.memory_space<semaphore_mem>>
      %dma_start3A_319 = tpu.memref_squeeze %dma_start3A_318 : memref<1x!tpu.dma_semaphore, #tpu.memory_space<semaphore_mem>> -> memref<!tpu.dma_semaphore, #tpu.memory_space<semaphore_mem>>
      %dma_start3A_320 = arith.constant 0 : i32
      %dma_start3A_321 = tpu.memref_slice %arg8[%add3A_312, %dma_start3A_320] : memref<256x96xf32, #tpu.memory_space<vmem>> -> memref<1x96xf32, #tpu.memory_space<vmem>>
      %dma_start3A_322 = arith.constant 0 : i32
      %dma_start3A_323 = tpu.memref_slice %arg3[%squeeze3A_308, %dma_start3A_322] : memref<1000000x96xf32, #tpu.memory_space<hbm>> -> memref<1x96xf32, #tpu.memory_space<hbm>>
      tpu.enqueue_dma source(%dma_start3A_323 : memref<1x96xf32, #tpu.memory_space<hbm>>) target(%dma_start3A_321 : memref<1x96xf32, #tpu.memory_space<vmem>>) target_semaphore(%dma_start3A_319 : memref<!tpu.dma_semaphore, #tpu.memory_space<semaphore_mem>>)
      %dma_start3A_324 = arith.constant 0 : i32
      %dma_start3A_325 = arith.constant 0 : i32
      %dma_start3A_326 = tpu.memref_slice %arg9[%add3A_312, %dma_start3A_325] : memref<256x96xf32, #tpu.memory_space<vmem>> -> memref<1x96xf32, #tpu.memory_space<vmem>>
      %dma_start3A_327 = arith.constant 0 : i32
      %dma_start3A_328 = tpu.memref_slice %arg4[%squeeze3A_308, %dma_start3A_327] : memref<1000000x96xf32, #tpu.memory_space<hbm>> -> memref<1x96xf32, #tpu.memory_space<hbm>>
      %dma_start3A_329 = tpu.memref_slice %arg11[%dma_start3A_324] : memref<2x!tpu.dma_semaphore, #tpu.memory_space<semaphore_mem>> -> memref<1x!tpu.dma_semaphore, #tpu.memory_space<semaphore_mem>>
      %dma_start3A_330 = tpu.memref_squeeze %dma_start3A_329 : memref<1x!tpu.dma_semaphore, #tpu.memory_space<semaphore_mem>> -> memref<!tpu.dma_semaphore, #tpu.memory_space<semaphore_mem>>
      %dma_start3A_331 = arith.constant 0 : i32
      %dma_start3A_332 = tpu.memref_slice %arg9[%add3A_312, %dma_start3A_331] : memref<256x96xf32, #tpu.memory_space<vmem>> -> memref<1x96xf32, #tpu.memory_space<vmem>>
      %dma_start3A_333 = arith.constant 0 : i32
      %dma_start3A_334 = tpu.memref_slice %arg4[%squeeze3A_308, %dma_start3A_333] : memref<1000000x96xf32, #tpu.memory_space<hbm>> -> memref<1x96xf32, #tpu.memory_space<hbm>>
      tpu.enqueue_dma source(%dma_start3A_334 : memref<1x96xf32, #tpu.memory_space<hbm>>) target(%dma_start3A_332 : memref<1x96xf32, #tpu.memory_space<vmem>>) target_semaphore(%dma_start3A_330 : memref<!tpu.dma_semaphore, #tpu.memory_space<semaphore_mem>>)
      %slice3A_335 = vector.extract_strided_slice %get3A_141 {offsets = [7], sizes = [1], strides = [1]} : vector<16xi32> to vector<1xi32>
      %squeeze3A_336 = vector.extract %slice3A_335[0] : i32 from vector<1xi32>
      %mul3A_337 = arith.constant 16 : i32
      %mul3A_338 = arith.muli %scan3A_135, %mul3A_337 : i32
      %add3A_339 = arith.constant 7 : i32
      %add3A_340 = arith.addi %mul3A_338, %add3A_339 : i32
      %dma_start3A_341 = arith.constant 1 : i32
      %dma_start3A_342 = arith.constant 0 : i32
      %dma_start3A_343 = tpu.memref_slice %arg8[%add3A_340, %dma_start3A_342] : memref<256x96xf32, #tpu.memory_space<vmem>> -> memref<1x96xf32, #tpu.memory_space<vmem>>
      %dma_start3A_344 = arith.constant 0 : i32
      %dma_start3A_345 = tpu.memref_slice %arg3[%squeeze3A_336, %dma_start3A_344] : memref<1000000x96xf32, #tpu.memory_space<hbm>> -> memref<1x96xf32, #tpu.memory_space<hbm>>
      %dma_start3A_346 = tpu.memref_slice %arg10[%dma_start3A_341] : memref<2x!tpu.dma_semaphore, #tpu.memory_space<semaphore_mem>> -> memref<1x!tpu.dma_semaphore, #tpu.memory_space<semaphore_mem>>
      %dma_start3A_347 = tpu.memref_squeeze %dma_start3A_346 : memref<1x!tpu.dma_semaphore, #tpu.memory_space<semaphore_mem>> -> memref<!tpu.dma_semaphore, #tpu.memory_space<semaphore_mem>>
      %dma_start3A_348 = arith.constant 0 : i32
      %dma_start3A_349 = tpu.memref_slice %arg8[%add3A_340, %dma_start3A_348] : memref<256x96xf32, #tpu.memory_space<vmem>> -> memref<1x96xf32, #tpu.memory_space<vmem>>
      %dma_start3A_350 = arith.constant 0 : i32
      %dma_start3A_351 = tpu.memref_slice %arg3[%squeeze3A_336, %dma_start3A_350] : memref<1000000x96xf32, #tpu.memory_space<hbm>> -> memref<1x96xf32, #tpu.memory_space<hbm>>
      tpu.enqueue_dma source(%dma_start3A_351 : memref<1x96xf32, #tpu.memory_space<hbm>>) target(%dma_start3A_349 : memref<1x96xf32, #tpu.memory_space<vmem>>) target_semaphore(%dma_start3A_347 : memref<!tpu.dma_semaphore, #tpu.memory_space<semaphore_mem>>)
      %dma_start3A_352 = arith.constant 1 : i32
      %dma_start3A_353 = arith.constant 0 : i32
      %dma_start3A_354 = tpu.memref_slice %arg9[%add3A_340, %dma_start3A_353] : memref<256x96xf32, #tpu.memory_space<vmem>> -> memref<1x96xf32, #tpu.memory_space<vmem>>
      %dma_start3A_355 = arith.constant 0 : i32
      %dma_start3A_356 = tpu.memref_slice %arg4[%squeeze3A_336, %dma_start3A_355] : memref<1000000x96xf32, #tpu.memory_space<hbm>> -> memref<1x96xf32, #tpu.memory_space<hbm>>
      %dma_start3A_357 = tpu.memref_slice %arg11[%dma_start3A_352] : memref<2x!tpu.dma_semaphore, #tpu.memory_space<semaphore_mem>> -> memref<1x!tpu.dma_semaphore, #tpu.memory_space<semaphore_mem>>
      %dma_start3A_358 = tpu.memref_squeeze %dma_start3A_357 : memref<1x!tpu.dma_semaphore, #tpu.memory_space<semaphore_mem>> -> memref<!tpu.dma_semaphore, #tpu.memory_space<semaphore_mem>>
      %dma_start3A_359 = arith.constant 0 : i32
      %dma_start3A_360 = tpu.memref_slice %arg9[%add3A_340, %dma_start3A_359] : memref<256x96xf32, #tpu.memory_space<vmem>> -> memref<1x96xf32, #tpu.memory_space<vmem>>
      %dma_start3A_361 = arith.constant 0 : i32
      %dma_start3A_362 = tpu.memref_slice %arg4[%squeeze3A_336, %dma_start3A_361] : memref<1000000x96xf32, #tpu.memory_space<hbm>> -> memref<1x96xf32, #tpu.memory_space<hbm>>
      tpu.enqueue_dma source(%dma_start3A_362 : memref<1x96xf32, #tpu.memory_space<hbm>>) target(%dma_start3A_360 : memref<1x96xf32, #tpu.memory_space<vmem>>) target_semaphore(%dma_start3A_358 : memref<!tpu.dma_semaphore, #tpu.memory_space<semaphore_mem>>)
      %slice3A_363 = vector.extract_strided_slice %get3A_141 {offsets = [8], sizes = [1], strides = [1]} : vector<16xi32> to vector<1xi32>
      %squeeze3A_364 = vector.extract %slice3A_363[0] : i32 from vector<1xi32>
      %mul3A_365 = arith.constant 16 : i32
      %mul3A_366 = arith.muli %scan3A_135, %mul3A_365 : i32
      %add3A_367 = arith.constant 8 : i32
      %add3A_368 = arith.addi %mul3A_366, %add3A_367 : i32
      %dma_start3A_369 = arith.constant 0 : i32
      %dma_start3A_370 = arith.constant 0 : i32
      %dma_start3A_371 = tpu.memref_slice %arg8[%add3A_368, %dma_start3A_370] : memref<256x96xf32, #tpu.memory_space<vmem>> -> memref<1x96xf32, #tpu.memory_space<vmem>>
      %dma_start3A_372 = arith.constant 0 : i32
      %dma_start3A_373 = tpu.memref_slice %arg3[%squeeze3A_364, %dma_start3A_372] : memref<1000000x96xf32, #tpu.memory_space<hbm>> -> memref<1x96xf32, #tpu.memory_space<hbm>>
      %dma_start3A_374 = tpu.memref_slice %arg10[%dma_start3A_369] : memref<2x!tpu.dma_semaphore, #tpu.memory_space<semaphore_mem>> -> memref<1x!tpu.dma_semaphore, #tpu.memory_space<semaphore_mem>>
      %dma_start3A_375 = tpu.memref_squeeze %dma_start3A_374 : memref<1x!tpu.dma_semaphore, #tpu.memory_space<semaphore_mem>> -> memref<!tpu.dma_semaphore, #tpu.memory_space<semaphore_mem>>
      %dma_start3A_376 = arith.constant 0 : i32
      %dma_start3A_377 = tpu.memref_slice %arg8[%add3A_368, %dma_start3A_376] : memref<256x96xf32, #tpu.memory_space<vmem>> -> memref<1x96xf32, #tpu.memory_space<vmem>>
      %dma_start3A_378 = arith.constant 0 : i32
      %dma_start3A_379 = tpu.memref_slice %arg3[%squeeze3A_364, %dma_start3A_378] : memref<1000000x96xf32, #tpu.memory_space<hbm>> -> memref<1x96xf32, #tpu.memory_space<hbm>>
      tpu.enqueue_dma source(%dma_start3A_379 : memref<1x96xf32, #tpu.memory_space<hbm>>) target(%dma_start3A_377 : memref<1x96xf32, #tpu.memory_space<vmem>>) target_semaphore(%dma_start3A_375 : memref<!tpu.dma_semaphore, #tpu.memory_space<semaphore_mem>>)
      %dma_start3A_380 = arith.constant 0 : i32
      %dma_start3A_381 = arith.constant 0 : i32
      %dma_start3A_382 = tpu.memref_slice %arg9[%add3A_368, %dma_start3A_381] : memref<256x96xf32, #tpu.memory_space<vmem>> -> memref<1x96xf32, #tpu.memory_space<vmem>>
      %dma_start3A_383 = arith.constant 0 : i32
      %dma_start3A_384 = tpu.memref_slice %arg4[%squeeze3A_364, %dma_start3A_383] : memref<1000000x96xf32, #tpu.memory_space<hbm>> -> memref<1x96xf32, #tpu.memory_space<hbm>>
      %dma_start3A_385 = tpu.memref_slice %arg11[%dma_start3A_380] : memref<2x!tpu.dma_semaphore, #tpu.memory_space<semaphore_mem>> -> memref<1x!tpu.dma_semaphore, #tpu.memory_space<semaphore_mem>>
      %dma_start3A_386 = tpu.memref_squeeze %dma_start3A_385 : memref<1x!tpu.dma_semaphore, #tpu.memory_space<semaphore_mem>> -> memref<!tpu.dma_semaphore, #tpu.memory_space<semaphore_mem>>
      %dma_start3A_387 = arith.constant 0 : i32
      %dma_start3A_388 = tpu.memref_slice %arg9[%add3A_368, %dma_start3A_387] : memref<256x96xf32, #tpu.memory_space<vmem>> -> memref<1x96xf32, #tpu.memory_space<vmem>>
      %dma_start3A_389 = arith.constant 0 : i32
      %dma_start3A_390 = tpu.memref_slice %arg4[%squeeze3A_364, %dma_start3A_389] : memref<1000000x96xf32, #tpu.memory_space<hbm>> -> memref<1x96xf32, #tpu.memory_space<hbm>>
      tpu.enqueue_dma source(%dma_start3A_390 : memref<1x96xf32, #tpu.memory_space<hbm>>) target(%dma_start3A_388 : memref<1x96xf32, #tpu.memory_space<vmem>>) target_semaphore(%dma_start3A_386 : memref<!tpu.dma_semaphore, #tpu.memory_space<semaphore_mem>>)
      %slice3A_391 = vector.extract_strided_slice %get3A_141 {offsets = [9], sizes = [1], strides = [1]} : vector<16xi32> to vector<1xi32>
      %squeeze3A_392 = vector.extract %slice3A_391[0] : i32 from vector<1xi32>
      %mul3A_393 = arith.constant 16 : i32
      %mul3A_394 = arith.muli %scan3A_135, %mul3A_393 : i32
      %add3A_395 = arith.constant 9 : i32
      %add3A_396 = arith.addi %mul3A_394, %add3A_395 : i32
      %dma_start3A_397 = arith.constant 1 : i32
      %dma_start3A_398 = arith.constant 0 : i32
      %dma_start3A_399 = tpu.memref_slice %arg8[%add3A_396, %dma_start3A_398] : memref<256x96xf32, #tpu.memory_space<vmem>> -> memref<1x96xf32, #tpu.memory_space<vmem>>
      %dma_start3A_400 = arith.constant 0 : i32
      %dma_start3A_401 = tpu.memref_slice %arg3[%squeeze3A_392, %dma_start3A_400] : memref<1000000x96xf32, #tpu.memory_space<hbm>> -> memref<1x96xf32, #tpu.memory_space<hbm>>
      %dma_start3A_402 = tpu.memref_slice %arg10[%dma_start3A_397] : memref<2x!tpu.dma_semaphore, #tpu.memory_space<semaphore_mem>> -> memref<1x!tpu.dma_semaphore, #tpu.memory_space<semaphore_mem>>
      %dma_start3A_403 = tpu.memref_squeeze %dma_start3A_402 : memref<1x!tpu.dma_semaphore, #tpu.memory_space<semaphore_mem>> -> memref<!tpu.dma_semaphore, #tpu.memory_space<semaphore_mem>>
      %dma_start3A_404 = arith.constant 0 : i32
      %dma_start3A_405 = tpu.memref_slice %arg8[%add3A_396, %dma_start3A_404] : memref<256x96xf32, #tpu.memory_space<vmem>> -> memref<1x96xf32, #tpu.memory_space<vmem>>
      %dma_start3A_406 = arith.constant 0 : i32
      %dma_start3A_407 = tpu.memref_slice %arg3[%squeeze3A_392, %dma_start3A_406] : memref<1000000x96xf32, #tpu.memory_space<hbm>> -> memref<1x96xf32, #tpu.memory_space<hbm>>
      tpu.enqueue_dma source(%dma_start3A_407 : memref<1x96xf32, #tpu.memory_space<hbm>>) target(%dma_start3A_405 : memref<1x96xf32, #tpu.memory_space<vmem>>) target_semaphore(%dma_start3A_403 : memref<!tpu.dma_semaphore, #tpu.memory_space<semaphore_mem>>)
      %dma_start3A_408 = arith.constant 1 : i32
      %dma_start3A_409 = arith.constant 0 : i32
      %dma_start3A_410 = tpu.memref_slice %arg9[%add3A_396, %dma_start3A_409] : memref<256x96xf32, #tpu.memory_space<vmem>> -> memref<1x96xf32, #tpu.memory_space<vmem>>
      %dma_start3A_411 = arith.constant 0 : i32
      %dma_start3A_412 = tpu.memref_slice %arg4[%squeeze3A_392, %dma_start3A_411] : memref<1000000x96xf32, #tpu.memory_space<hbm>> -> memref<1x96xf32, #tpu.memory_space<hbm>>
      %dma_start3A_413 = tpu.memref_slice %arg11[%dma_start3A_408] : memref<2x!tpu.dma_semaphore, #tpu.memory_space<semaphore_mem>> -> memref<1x!tpu.dma_semaphore, #tpu.memory_space<semaphore_mem>>
      %dma_start3A_414 = tpu.memref_squeeze %dma_start3A_413 : memref<1x!tpu.dma_semaphore, #tpu.memory_space<semaphore_mem>> -> memref<!tpu.dma_semaphore, #tpu.memory_space<semaphore_mem>>
      %dma_start3A_415 = arith.constant 0 : i32
      %dma_start3A_416 = tpu.memref_slice %arg9[%add3A_396, %dma_start3A_415] : memref<256x96xf32, #tpu.memory_space<vmem>> -> memref<1x96xf32, #tpu.memory_space<vmem>>
      %dma_start3A_417 = arith.constant 0 : i32
      %dma_start3A_418 = tpu.memref_slice %arg4[%squeeze3A_392, %dma_start3A_417] : memref<1000000x96xf32, #tpu.memory_space<hbm>> -> memref<1x96xf32, #tpu.memory_space<hbm>>
      tpu.enqueue_dma source(%dma_start3A_418 : memref<1x96xf32, #tpu.memory_space<hbm>>) target(%dma_start3A_416 : memref<1x96xf32, #tpu.memory_space<vmem>>) target_semaphore(%dma_start3A_414 : memref<!tpu.dma_semaphore, #tpu.memory_space<semaphore_mem>>)
      %slice3A_419 = vector.extract_strided_slice %get3A_141 {offsets = [10], sizes = [1], strides = [1]} : vector<16xi32> to vector<1xi32>
      %squeeze3A_420 = vector.extract %slice3A_419[0] : i32 from vector<1xi32>
      %mul3A_421 = arith.constant 16 : i32
      %mul3A_422 = arith.muli %scan3A_135, %mul3A_421 : i32
      %add3A_423 = arith.constant 10 : i32
      %add3A_424 = arith.addi %mul3A_422, %add3A_423 : i32
      %dma_start3A_425 = arith.constant 0 : i32
      %dma_start3A_426 = arith.constant 0 : i32
      %dma_start3A_427 = tpu.memref_slice %arg8[%add3A_424, %dma_start3A_426] : memref<256x96xf32, #tpu.memory_space<vmem>> -> memref<1x96xf32, #tpu.memory_space<vmem>>
      %dma_start3A_428 = arith.constant 0 : i32
      %dma_start3A_429 = tpu.memref_slice %arg3[%squeeze3A_420, %dma_start3A_428] : memref<1000000x96xf32, #tpu.memory_space<hbm>> -> memref<1x96xf32, #tpu.memory_space<hbm>>
      %dma_start3A_430 = tpu.memref_slice %arg10[%dma_start3A_425] : memref<2x!tpu.dma_semaphore, #tpu.memory_space<semaphore_mem>> -> memref<1x!tpu.dma_semaphore, #tpu.memory_space<semaphore_mem>>
      %dma_start3A_431 = tpu.memref_squeeze %dma_start3A_430 : memref<1x!tpu.dma_semaphore, #tpu.memory_space<semaphore_mem>> -> memref<!tpu.dma_semaphore, #tpu.memory_space<semaphore_mem>>
      %dma_start3A_432 = arith.constant 0 : i32
      %dma_start3A_433 = tpu.memref_slice %arg8[%add3A_424, %dma_start3A_432] : memref<256x96xf32, #tpu.memory_space<vmem>> -> memref<1x96xf32, #tpu.memory_space<vmem>>
      %dma_start3A_434 = arith.constant 0 : i32
      %dma_start3A_435 = tpu.memref_slice %arg3[%squeeze3A_420, %dma_start3A_434] : memref<1000000x96xf32, #tpu.memory_space<hbm>> -> memref<1x96xf32, #tpu.memory_space<hbm>>
      tpu.enqueue_dma source(%dma_start3A_435 : memref<1x96xf32, #tpu.memory_space<hbm>>) target(%dma_start3A_433 : memref<1x96xf32, #tpu.memory_space<vmem>>) target_semaphore(%dma_start3A_431 : memref<!tpu.dma_semaphore, #tpu.memory_space<semaphore_mem>>)
      %dma_start3A_436 = arith.constant 0 : i32
      %dma_start3A_437 = arith.constant 0 : i32
      %dma_start3A_438 = tpu.memref_slice %arg9[%add3A_424, %dma_start3A_437] : memref<256x96xf32, #tpu.memory_space<vmem>> -> memref<1x96xf32, #tpu.memory_space<vmem>>
      %dma_start3A_439 = arith.constant 0 : i32
      %dma_start3A_440 = tpu.memref_slice %arg4[%squeeze3A_420, %dma_start3A_439] : memref<1000000x96xf32, #tpu.memory_space<hbm>> -> memref<1x96xf32, #tpu.memory_space<hbm>>
      %dma_start3A_441 = tpu.memref_slice %arg11[%dma_start3A_436] : memref<2x!tpu.dma_semaphore, #tpu.memory_space<semaphore_mem>> -> memref<1x!tpu.dma_semaphore, #tpu.memory_space<semaphore_mem>>
      %dma_start3A_442 = tpu.memref_squeeze %dma_start3A_441 : memref<1x!tpu.dma_semaphore, #tpu.memory_space<semaphore_mem>> -> memref<!tpu.dma_semaphore, #tpu.memory_space<semaphore_mem>>
      %dma_start3A_443 = arith.constant 0 : i32
      %dma_start3A_444 = tpu.memref_slice %arg9[%add3A_424, %dma_start3A_443] : memref<256x96xf32, #tpu.memory_space<vmem>> -> memref<1x96xf32, #tpu.memory_space<vmem>>
      %dma_start3A_445 = arith.constant 0 : i32
      %dma_start3A_446 = tpu.memref_slice %arg4[%squeeze3A_420, %dma_start3A_445] : memref<1000000x96xf32, #tpu.memory_space<hbm>> -> memref<1x96xf32, #tpu.memory_space<hbm>>
      tpu.enqueue_dma source(%dma_start3A_446 : memref<1x96xf32, #tpu.memory_space<hbm>>) target(%dma_start3A_444 : memref<1x96xf32, #tpu.memory_space<vmem>>) target_semaphore(%dma_start3A_442 : memref<!tpu.dma_semaphore, #tpu.memory_space<semaphore_mem>>)
      %slice3A_447 = vector.extract_strided_slice %get3A_141 {offsets = [11], sizes = [1], strides = [1]} : vector<16xi32> to vector<1xi32>
      %squeeze3A_448 = vector.extract %slice3A_447[0] : i32 from vector<1xi32>
      %mul3A_449 = arith.constant 16 : i32
      %mul3A_450 = arith.muli %scan3A_135, %mul3A_449 : i32
      %add3A_451 = arith.constant 11 : i32
      %add3A_452 = arith.addi %mul3A_450, %add3A_451 : i32
      %dma_start3A_453 = arith.constant 1 : i32
      %dma_start3A_454 = arith.constant 0 : i32
      %dma_start3A_455 = tpu.memref_slice %arg8[%add3A_452, %dma_start3A_454] : memref<256x96xf32, #tpu.memory_space<vmem>> -> memref<1x96xf32, #tpu.memory_space<vmem>>
      %dma_start3A_456 = arith.constant 0 : i32
      %dma_start3A_457 = tpu.memref_slice %arg3[%squeeze3A_448, %dma_start3A_456] : memref<1000000x96xf32, #tpu.memory_space<hbm>> -> memref<1x96xf32, #tpu.memory_space<hbm>>
      %dma_start3A_458 = tpu.memref_slice %arg10[%dma_start3A_453] : memref<2x!tpu.dma_semaphore, #tpu.memory_space<semaphore_mem>> -> memref<1x!tpu.dma_semaphore, #tpu.memory_space<semaphore_mem>>
      %dma_start3A_459 = tpu.memref_squeeze %dma_start3A_458 : memref<1x!tpu.dma_semaphore, #tpu.memory_space<semaphore_mem>> -> memref<!tpu.dma_semaphore, #tpu.memory_space<semaphore_mem>>
      %dma_start3A_460 = arith.constant 0 : i32
      %dma_start3A_461 = tpu.memref_slice %arg8[%add3A_452, %dma_start3A_460] : memref<256x96xf32, #tpu.memory_space<vmem>> -> memref<1x96xf32, #tpu.memory_space<vmem>>
      %dma_start3A_462 = arith.constant 0 : i32
      %dma_start3A_463 = tpu.memref_slice %arg3[%squeeze3A_448, %dma_start3A_462] : memref<1000000x96xf32, #tpu.memory_space<hbm>> -> memref<1x96xf32, #tpu.memory_space<hbm>>
      tpu.enqueue_dma source(%dma_start3A_463 : memref<1x96xf32, #tpu.memory_space<hbm>>) target(%dma_start3A_461 : memref<1x96xf32, #tpu.memory_space<vmem>>) target_semaphore(%dma_start3A_459 : memref<!tpu.dma_semaphore, #tpu.memory_space<semaphore_mem>>)
      %dma_start3A_464 = arith.constant 1 : i32
      %dma_start3A_465 = arith.constant 0 : i32
      %dma_start3A_466 = tpu.memref_slice %arg9[%add3A_452, %dma_start3A_465] : memref<256x96xf32, #tpu.memory_space<vmem>> -> memref<1x96xf32, #tpu.memory_space<vmem>>
      %dma_start3A_467 = arith.constant 0 : i32
      %dma_start3A_468 = tpu.memref_slice %arg4[%squeeze3A_448, %dma_start3A_467] : memref<1000000x96xf32, #tpu.memory_space<hbm>> -> memref<1x96xf32, #tpu.memory_space<hbm>>
      %dma_start3A_469 = tpu.memref_slice %arg11[%dma_start3A_464] : memref<2x!tpu.dma_semaphore, #tpu.memory_space<semaphore_mem>> -> memref<1x!tpu.dma_semaphore, #tpu.memory_space<semaphore_mem>>
      %dma_start3A_470 = tpu.memref_squeeze %dma_start3A_469 : memref<1x!tpu.dma_semaphore, #tpu.memory_space<semaphore_mem>> -> memref<!tpu.dma_semaphore, #tpu.memory_space<semaphore_mem>>
      %dma_start3A_471 = arith.constant 0 : i32
      %dma_start3A_472 = tpu.memref_slice %arg9[%add3A_452, %dma_start3A_471] : memref<256x96xf32, #tpu.memory_space<vmem>> -> memref<1x96xf32, #tpu.memory_space<vmem>>
      %dma_start3A_473 = arith.constant 0 : i32
      %dma_start3A_474 = tpu.memref_slice %arg4[%squeeze3A_448, %dma_start3A_473] : memref<1000000x96xf32, #tpu.memory_space<hbm>> -> memref<1x96xf32, #tpu.memory_space<hbm>>
      tpu.enqueue_dma source(%dma_start3A_474 : memref<1x96xf32, #tpu.memory_space<hbm>>) target(%dma_start3A_472 : memref<1x96xf32, #tpu.memory_space<vmem>>) target_semaphore(%dma_start3A_470 : memref<!tpu.dma_semaphore, #tpu.memory_space<semaphore_mem>>)
      %slice3A_475 = vector.extract_strided_slice %get3A_141 {offsets = [12], sizes = [1], strides = [1]} : vector<16xi32> to vector<1xi32>
      %squeeze3A_476 = vector.extract %slice3A_475[0] : i32 from vector<1xi32>
      %mul3A_477 = arith.constant 16 : i32
      %mul3A_478 = arith.muli %scan3A_135, %mul3A_477 : i32
      %add3A_479 = arith.constant 12 : i32
      %add3A_480 = arith.addi %mul3A_478, %add3A_479 : i32
      %dma_start3A_481 = arith.constant 0 : i32
      %dma_start3A_482 = arith.constant 0 : i32
      %dma_start3A_483 = tpu.memref_slice %arg8[%add3A_480, %dma_start3A_482] : memref<256x96xf32, #tpu.memory_space<vmem>> -> memref<1x96xf32, #tpu.memory_space<vmem>>
      %dma_start3A_484 = arith.constant 0 : i32
      %dma_start3A_485 = tpu.memref_slice %arg3[%squeeze3A_476, %dma_start3A_484] : memref<1000000x96xf32, #tpu.memory_space<hbm>> -> memref<1x96xf32, #tpu.memory_space<hbm>>
      %dma_start3A_486 = tpu.memref_slice %arg10[%dma_start3A_481] : memref<2x!tpu.dma_semaphore, #tpu.memory_space<semaphore_mem>> -> memref<1x!tpu.dma_semaphore, #tpu.memory_space<semaphore_mem>>
      %dma_start3A_487 = tpu.memref_squeeze %dma_start3A_486 : memref<1x!tpu.dma_semaphore, #tpu.memory_space<semaphore_mem>> -> memref<!tpu.dma_semaphore, #tpu.memory_space<semaphore_mem>>
      %dma_start3A_488 = arith.constant 0 : i32
      %dma_start3A_489 = tpu.memref_slice %arg8[%add3A_480, %dma_start3A_488] : memref<256x96xf32, #tpu.memory_space<vmem>> -> memref<1x96xf32, #tpu.memory_space<vmem>>
      %dma_start3A_490 = arith.constant 0 : i32
      %dma_start3A_491 = tpu.memref_slice %arg3[%squeeze3A_476, %dma_start3A_490] : memref<1000000x96xf32, #tpu.memory_space<hbm>> -> memref<1x96xf32, #tpu.memory_space<hbm>>
      tpu.enqueue_dma source(%dma_start3A_491 : memref<1x96xf32, #tpu.memory_space<hbm>>) target(%dma_start3A_489 : memref<1x96xf32, #tpu.memory_space<vmem>>) target_semaphore(%dma_start3A_487 : memref<!tpu.dma_semaphore, #tpu.memory_space<semaphore_mem>>)
      %dma_start3A_492 = arith.constant 0 : i32
      %dma_start3A_493 = arith.constant 0 : i32
      %dma_start3A_494 = tpu.memref_slice %arg9[%add3A_480, %dma_start3A_493] : memref<256x96xf32, #tpu.memory_space<vmem>> -> memref<1x96xf32, #tpu.memory_space<vmem>>
      %dma_start3A_495 = arith.constant 0 : i32
      %dma_start3A_496 = tpu.memref_slice %arg4[%squeeze3A_476, %dma_start3A_495] : memref<1000000x96xf32, #tpu.memory_space<hbm>> -> memref<1x96xf32, #tpu.memory_space<hbm>>
      %dma_start3A_497 = tpu.memref_slice %arg11[%dma_start3A_492] : memref<2x!tpu.dma_semaphore, #tpu.memory_space<semaphore_mem>> -> memref<1x!tpu.dma_semaphore, #tpu.memory_space<semaphore_mem>>
      %dma_start3A_498 = tpu.memref_squeeze %dma_start3A_497 : memref<1x!tpu.dma_semaphore, #tpu.memory_space<semaphore_mem>> -> memref<!tpu.dma_semaphore, #tpu.memory_space<semaphore_mem>>
      %dma_start3A_499 = arith.constant 0 : i32
      %dma_start3A_500 = tpu.memref_slice %arg9[%add3A_480, %dma_start3A_499] : memref<256x96xf32, #tpu.memory_space<vmem>> -> memref<1x96xf32, #tpu.memory_space<vmem>>
      %dma_start3A_501 = arith.constant 0 : i32
      %dma_start3A_502 = tpu.memref_slice %arg4[%squeeze3A_476, %dma_start3A_501] : memref<1000000x96xf32, #tpu.memory_space<hbm>> -> memref<1x96xf32, #tpu.memory_space<hbm>>
      tpu.enqueue_dma source(%dma_start3A_502 : memref<1x96xf32, #tpu.memory_space<hbm>>) target(%dma_start3A_500 : memref<1x96xf32, #tpu.memory_space<vmem>>) target_semaphore(%dma_start3A_498 : memref<!tpu.dma_semaphore, #tpu.memory_space<semaphore_mem>>)
      %slice3A_503 = vector.extract_strided_slice %get3A_141 {offsets = [13], sizes = [1], strides = [1]} : vector<16xi32> to vector<1xi32>
      %squeeze3A_504 = vector.extract %slice3A_503[0] : i32 from vector<1xi32>
      %mul3A_505 = arith.constant 16 : i32
      %mul3A_506 = arith.muli %scan3A_135, %mul3A_505 : i32
      %add3A_507 = arith.constant 13 : i32
      %add3A_508 = arith.addi %mul3A_506, %add3A_507 : i32
      %dma_start3A_509 = arith.constant 1 : i32
      %dma_start3A_510 = arith.constant 0 : i32
      %dma_start3A_511 = tpu.memref_slice %arg8[%add3A_508, %dma_start3A_510] : memref<256x96xf32, #tpu.memory_space<vmem>> -> memref<1x96xf32, #tpu.memory_space<vmem>>
      %dma_start3A_512 = arith.constant 0 : i32
      %dma_start3A_513 = tpu.memref_slice %arg3[%squeeze3A_504, %dma_start3A_512] : memref<1000000x96xf32, #tpu.memory_space<hbm>> -> memref<1x96xf32, #tpu.memory_space<hbm>>
      %dma_start3A_514 = tpu.memref_slice %arg10[%dma_start3A_509] : memref<2x!tpu.dma_semaphore, #tpu.memory_space<semaphore_mem>> -> memref<1x!tpu.dma_semaphore, #tpu.memory_space<semaphore_mem>>
      %dma_start3A_515 = tpu.memref_squeeze %dma_start3A_514 : memref<1x!tpu.dma_semaphore, #tpu.memory_space<semaphore_mem>> -> memref<!tpu.dma_semaphore, #tpu.memory_space<semaphore_mem>>
      %dma_start3A_516 = arith.constant 0 : i32
      %dma_start3A_517 = tpu.memref_slice %arg8[%add3A_508, %dma_start3A_516] : memref<256x96xf32, #tpu.memory_space<vmem>> -> memref<1x96xf32, #tpu.memory_space<vmem>>
      %dma_start3A_518 = arith.constant 0 : i32
      %dma_start3A_519 = tpu.memref_slice %arg3[%squeeze3A_504, %dma_start3A_518] : memref<1000000x96xf32, #tpu.memory_space<hbm>> -> memref<1x96xf32, #tpu.memory_space<hbm>>
      tpu.enqueue_dma source(%dma_start3A_519 : memref<1x96xf32, #tpu.memory_space<hbm>>) target(%dma_start3A_517 : memref<1x96xf32, #tpu.memory_space<vmem>>) target_semaphore(%dma_start3A_515 : memref<!tpu.dma_semaphore, #tpu.memory_space<semaphore_mem>>)
      %dma_start3A_520 = arith.constant 1 : i32
      %dma_start3A_521 = arith.constant 0 : i32
      %dma_start3A_522 = tpu.memref_slice %arg9[%add3A_508, %dma_start3A_521] : memref<256x96xf32, #tpu.memory_space<vmem>> -> memref<1x96xf32, #tpu.memory_space<vmem>>
      %dma_start3A_523 = arith.constant 0 : i32
      %dma_start3A_524 = tpu.memref_slice %arg4[%squeeze3A_504, %dma_start3A_523] : memref<1000000x96xf32, #tpu.memory_space<hbm>> -> memref<1x96xf32, #tpu.memory_space<hbm>>
      %dma_start3A_525 = tpu.memref_slice %arg11[%dma_start3A_520] : memref<2x!tpu.dma_semaphore, #tpu.memory_space<semaphore_mem>> -> memref<1x!tpu.dma_semaphore, #tpu.memory_space<semaphore_mem>>
      %dma_start3A_526 = tpu.memref_squeeze %dma_start3A_525 : memref<1x!tpu.dma_semaphore, #tpu.memory_space<semaphore_mem>> -> memref<!tpu.dma_semaphore, #tpu.memory_space<semaphore_mem>>
      %dma_start3A_527 = arith.constant 0 : i32
      %dma_start3A_528 = tpu.memref_slice %arg9[%add3A_508, %dma_start3A_527] : memref<256x96xf32, #tpu.memory_space<vmem>> -> memref<1x96xf32, #tpu.memory_space<vmem>>
      %dma_start3A_529 = arith.constant 0 : i32
      %dma_start3A_530 = tpu.memref_slice %arg4[%squeeze3A_504, %dma_start3A_529] : memref<1000000x96xf32, #tpu.memory_space<hbm>> -> memref<1x96xf32, #tpu.memory_space<hbm>>
      tpu.enqueue_dma source(%dma_start3A_530 : memref<1x96xf32, #tpu.memory_space<hbm>>) target(%dma_start3A_528 : memref<1x96xf32, #tpu.memory_space<vmem>>) target_semaphore(%dma_start3A_526 : memref<!tpu.dma_semaphore, #tpu.memory_space<semaphore_mem>>)
      %slice3A_531 = vector.extract_strided_slice %get3A_141 {offsets = [14], sizes = [1], strides = [1]} : vector<16xi32> to vector<1xi32>
      %squeeze3A_532 = vector.extract %slice3A_531[0] : i32 from vector<1xi32>
      %mul3A_533 = arith.constant 16 : i32
      %mul3A_534 = arith.muli %scan3A_135, %mul3A_533 : i32
      %add3A_535 = arith.constant 14 : i32
      %add3A_536 = arith.addi %mul3A_534, %add3A_535 : i32
      %dma_start3A_537 = arith.constant 0 : i32
      %dma_start3A_538 = arith.constant 0 : i32
      %dma_start3A_539 = tpu.memref_slice %arg8[%add3A_536, %dma_start3A_538] : memref<256x96xf32, #tpu.memory_space<vmem>> -> memref<1x96xf32, #tpu.memory_space<vmem>>
      %dma_start3A_540 = arith.constant 0 : i32
      %dma_start3A_541 = tpu.memref_slice %arg3[%squeeze3A_532, %dma_start3A_540] : memref<1000000x96xf32, #tpu.memory_space<hbm>> -> memref<1x96xf32, #tpu.memory_space<hbm>>
      %dma_start3A_542 = tpu.memref_slice %arg10[%dma_start3A_537] : memref<2x!tpu.dma_semaphore, #tpu.memory_space<semaphore_mem>> -> memref<1x!tpu.dma_semaphore, #tpu.memory_space<semaphore_mem>>
      %dma_start3A_543 = tpu.memref_squeeze %dma_start3A_542 : memref<1x!tpu.dma_semaphore, #tpu.memory_space<semaphore_mem>> -> memref<!tpu.dma_semaphore, #tpu.memory_space<semaphore_mem>>
      %dma_start3A_544 = arith.constant 0 : i32
      %dma_start3A_545 = tpu.memref_slice %arg8[%add3A_536, %dma_start3A_544] : memref<256x96xf32, #tpu.memory_space<vmem>> -> memref<1x96xf32, #tpu.memory_space<vmem>>
      %dma_start3A_546 = arith.constant 0 : i32
      %dma_start3A_547 = tpu.memref_slice %arg3[%squeeze3A_532, %dma_start3A_546] : memref<1000000x96xf32, #tpu.memory_space<hbm>> -> memref<1x96xf32, #tpu.memory_space<hbm>>
      tpu.enqueue_dma source(%dma_start3A_547 : memref<1x96xf32, #tpu.memory_space<hbm>>) target(%dma_start3A_545 : memref<1x96xf32, #tpu.memory_space<vmem>>) target_semaphore(%dma_start3A_543 : memref<!tpu.dma_semaphore, #tpu.memory_space<semaphore_mem>>)
      %dma_start3A_548 = arith.constant 0 : i32
      %dma_start3A_549 = arith.constant 0 : i32
      %dma_start3A_550 = tpu.memref_slice %arg9[%add3A_536, %dma_start3A_549] : memref<256x96xf32, #tpu.memory_space<vmem>> -> memref<1x96xf32, #tpu.memory_space<vmem>>
      %dma_start3A_551 = arith.constant 0 : i32
      %dma_start3A_552 = tpu.memref_slice %arg4[%squeeze3A_532, %dma_start3A_551] : memref<1000000x96xf32, #tpu.memory_space<hbm>> -> memref<1x96xf32, #tpu.memory_space<hbm>>
      %dma_start3A_553 = tpu.memref_slice %arg11[%dma_start3A_548] : memref<2x!tpu.dma_semaphore, #tpu.memory_space<semaphore_mem>> -> memref<1x!tpu.dma_semaphore, #tpu.memory_space<semaphore_mem>>
      %dma_start3A_554 = tpu.memref_squeeze %dma_start3A_553 : memref<1x!tpu.dma_semaphore, #tpu.memory_space<semaphore_mem>> -> memref<!tpu.dma_semaphore, #tpu.memory_space<semaphore_mem>>
      %dma_start3A_555 = arith.constant 0 : i32
      %dma_start3A_556 = tpu.memref_slice %arg9[%add3A_536, %dma_start3A_555] : memref<256x96xf32, #tpu.memory_space<vmem>> -> memref<1x96xf32, #tpu.memory_space<vmem>>
      %dma_start3A_557 = arith.constant 0 : i32
      %dma_start3A_558 = tpu.memref_slice %arg4[%squeeze3A_532, %dma_start3A_557] : memref<1000000x96xf32, #tpu.memory_space<hbm>> -> memref<1x96xf32, #tpu.memory_space<hbm>>
      tpu.enqueue_dma source(%dma_start3A_558 : memref<1x96xf32, #tpu.memory_space<hbm>>) target(%dma_start3A_556 : memref<1x96xf32, #tpu.memory_space<vmem>>) target_semaphore(%dma_start3A_554 : memref<!tpu.dma_semaphore, #tpu.memory_space<semaphore_mem>>)
      %slice3A_559 = vector.extract_strided_slice %get3A_141 {offsets = [15], sizes = [1], strides = [1]} : vector<16xi32> to vector<1xi32>
      %squeeze3A_560 = vector.extract %slice3A_559[0] : i32 from vector<1xi32>
      %mul3A_561 = arith.constant 16 : i32
      %mul3A_562 = arith.muli %scan3A_135, %mul3A_561 : i32
      %add3A_563 = arith.constant 15 : i32
      %add3A_564 = arith.addi %mul3A_562, %add3A_563 : i32
      %dma_start3A_565 = arith.constant 1 : i32
      %dma_start3A_566 = arith.constant 0 : i32
      %dma_start3A_567 = tpu.memref_slice %arg8[%add3A_564, %dma_start3A_566] : memref<256x96xf32, #tpu.memory_space<vmem>> -> memref<1x96xf32, #tpu.memory_space<vmem>>
      %dma_start3A_568 = arith.constant 0 : i32
      %dma_start3A_569 = tpu.memref_slice %arg3[%squeeze3A_560, %dma_start3A_568] : memref<1000000x96xf32, #tpu.memory_space<hbm>> -> memref<1x96xf32, #tpu.memory_space<hbm>>
      %dma_start3A_570 = tpu.memref_slice %arg10[%dma_start3A_565] : memref<2x!tpu.dma_semaphore, #tpu.memory_space<semaphore_mem>> -> memref<1x!tpu.dma_semaphore, #tpu.memory_space<semaphore_mem>>
      %dma_start3A_571 = tpu.memref_squeeze %dma_start3A_570 : memref<1x!tpu.dma_semaphore, #tpu.memory_space<semaphore_mem>> -> memref<!tpu.dma_semaphore, #tpu.memory_space<semaphore_mem>>
      %dma_start3A_572 = arith.constant 0 : i32
      %dma_start3A_573 = tpu.memref_slice %arg8[%add3A_564, %dma_start3A_572] : memref<256x96xf32, #tpu.memory_space<vmem>> -> memref<1x96xf32, #tpu.memory_space<vmem>>
      %dma_start3A_574 = arith.constant 0 : i32
      %dma_start3A_575 = tpu.memref_slice %arg3[%squeeze3A_560, %dma_start3A_574] : memref<1000000x96xf32, #tpu.memory_space<hbm>> -> memref<1x96xf32, #tpu.memory_space<hbm>>
      tpu.enqueue_dma source(%dma_start3A_575 : memref<1x96xf32, #tpu.memory_space<hbm>>) target(%dma_start3A_573 : memref<1x96xf32, #tpu.memory_space<vmem>>) target_semaphore(%dma_start3A_571 : memref<!tpu.dma_semaphore, #tpu.memory_space<semaphore_mem>>)
      %dma_start3A_576 = arith.constant 1 : i32
      %dma_start3A_577 = arith.constant 0 : i32
      %dma_start3A_578 = tpu.memref_slice %arg9[%add3A_564, %dma_start3A_577] : memref<256x96xf32, #tpu.memory_space<vmem>> -> memref<1x96xf32, #tpu.memory_space<vmem>>
      %dma_start3A_579 = arith.constant 0 : i32
      %dma_start3A_580 = tpu.memref_slice %arg4[%squeeze3A_560, %dma_start3A_579] : memref<1000000x96xf32, #tpu.memory_space<hbm>> -> memref<1x96xf32, #tpu.memory_space<hbm>>
      %dma_start3A_581 = tpu.memref_slice %arg11[%dma_start3A_576] : memref<2x!tpu.dma_semaphore, #tpu.memory_space<semaphore_mem>> -> memref<1x!tpu.dma_semaphore, #tpu.memory_space<semaphore_mem>>
      %dma_start3A_582 = tpu.memref_squeeze %dma_start3A_581 : memref<1x!tpu.dma_semaphore, #tpu.memory_space<semaphore_mem>> -> memref<!tpu.dma_semaphore, #tpu.memory_space<semaphore_mem>>
      %dma_start3A_583 = arith.constant 0 : i32
      %dma_start3A_584 = tpu.memref_slice %arg9[%add3A_564, %dma_start3A_583] : memref<256x96xf32, #tpu.memory_space<vmem>> -> memref<1x96xf32, #tpu.memory_space<vmem>>
      %dma_start3A_585 = arith.constant 0 : i32
      %dma_start3A_586 = tpu.memref_slice %arg4[%squeeze3A_560, %dma_start3A_585] : memref<1000000x96xf32, #tpu.memory_space<hbm>> -> memref<1x96xf32, #tpu.memory_space<hbm>>
      tpu.enqueue_dma source(%dma_start3A_586 : memref<1x96xf32, #tpu.memory_space<hbm>>) target(%dma_start3A_584 : memref<1x96xf32, #tpu.memory_space<vmem>>) target_semaphore(%dma_start3A_582 : memref<!tpu.dma_semaphore, #tpu.memory_space<semaphore_mem>>)
    }
    %scan3A_72 = arith.constant 16 : i32
    %dma_wait3A_73 = arith.constant 0 : i32
    %dma_wait3A_74 = arith.constant 0 : i32
    %dma_wait3A_75 = arith.constant 0 : i32
    %dma_wait3A_76 = tpu.memref_slice %arg8[%dma_wait3A_74, %dma_wait3A_75] : memref<256x96xf32, #tpu.memory_space<vmem>> -> memref<128x96xf32, #tpu.memory_space<vmem>>
    %dma_wait3A_77 = arith.constant 0 : i32
    %dma_wait3A_78 = arith.constant 0 : i32
    %dma_wait3A_79 = tpu.memref_slice %arg3[%dma_wait3A_77, %dma_wait3A_78] : memref<1000000x96xf32, #tpu.memory_space<hbm>> -> memref<128x96xf32, #tpu.memory_space<hbm>>
    %dma_wait3A_80 = tpu.memref_slice %arg10[%dma_wait3A_73] : memref<2x!tpu.dma_semaphore, #tpu.memory_space<semaphore_mem>> -> memref<1x!tpu.dma_semaphore, #tpu.memory_space<semaphore_mem>>
    %dma_wait3A_81 = tpu.memref_squeeze %dma_wait3A_80 : memref<1x!tpu.dma_semaphore, #tpu.memory_space<semaphore_mem>> -> memref<!tpu.dma_semaphore, #tpu.memory_space<semaphore_mem>>
    %dma_wait3A_82 = arith.constant 0 : i32
    %dma_wait3A_83 = arith.constant 0 : i32
    %dma_wait3A_84 = tpu.memref_slice %arg8[%dma_wait3A_82, %dma_wait3A_83] : memref<256x96xf32, #tpu.memory_space<vmem>> -> memref<128x96xf32, #tpu.memory_space<vmem>>
    %dma_wait3A_85 = arith.constant 0 : i32
    %dma_wait3A_86 = arith.constant 0 : i32
    %dma_wait3A_87 = tpu.memref_slice %arg3[%dma_wait3A_85, %dma_wait3A_86] : memref<1000000x96xf32, #tpu.memory_space<hbm>> -> memref<128x96xf32, #tpu.memory_space<hbm>>
    tpu.wait_dma2 semaphore(%dma_wait3A_81 : memref<!tpu.dma_semaphore, #tpu.memory_space<semaphore_mem>>) src(%dma_wait3A_87 : memref<128x96xf32, #tpu.memory_space<hbm>>) dst(%dma_wait3A_84 : memref<128x96xf32, #tpu.memory_space<vmem>>)
    %dma_wait3A_88 = arith.constant 0 : i32
    %dma_wait3A_89 = arith.constant 0 : i32
    %dma_wait3A_90 = arith.constant 0 : i32
    %dma_wait3A_91 = tpu.memref_slice %arg9[%dma_wait3A_89, %dma_wait3A_90] : memref<256x96xf32, #tpu.memory_space<vmem>> -> memref<128x96xf32, #tpu.memory_space<vmem>>
    %dma_wait3A_92 = arith.constant 0 : i32
    %dma_wait3A_93 = arith.constant 0 : i32
    %dma_wait3A_94 = tpu.memref_slice %arg4[%dma_wait3A_92, %dma_wait3A_93] : memref<1000000x96xf32, #tpu.memory_space<hbm>> -> memref<128x96xf32, #tpu.memory_space<hbm>>
    %dma_wait3A_95 = tpu.memref_slice %arg11[%dma_wait3A_88] : memref<2x!tpu.dma_semaphore, #tpu.memory_space<semaphore_mem>> -> memref<1x!tpu.dma_semaphore, #tpu.memory_space<semaphore_mem>>
    %dma_wait3A_96 = tpu.memref_squeeze %dma_wait3A_95 : memref<1x!tpu.dma_semaphore, #tpu.memory_space<semaphore_mem>> -> memref<!tpu.dma_semaphore, #tpu.memory_space<semaphore_mem>>
    %dma_wait3A_97 = arith.constant 0 : i32
    %dma_wait3A_98 = arith.constant 0 : i32
    %dma_wait3A_99 = tpu.memref_slice %arg9[%dma_wait3A_97, %dma_wait3A_98] : memref<256x96xf32, #tpu.memory_space<vmem>> -> memref<128x96xf32, #tpu.memory_space<vmem>>
    %dma_wait3A_100 = arith.constant 0 : i32
    %dma_wait3A_101 = arith.constant 0 : i32
    %dma_wait3A_102 = tpu.memref_slice %arg4[%dma_wait3A_100, %dma_wait3A_101] : memref<1000000x96xf32, #tpu.memory_space<hbm>> -> memref<128x96xf32, #tpu.memory_space<hbm>>
    tpu.wait_dma2 semaphore(%dma_wait3A_96 : memref<!tpu.dma_semaphore, #tpu.memory_space<semaphore_mem>>) src(%dma_wait3A_102 : memref<128x96xf32, #tpu.memory_space<hbm>>) dst(%dma_wait3A_99 : memref<128x96xf32, #tpu.memory_space<vmem>>)
    %dma_wait3A_103 = arith.constant 1 : i32
    %dma_wait3A_104 = arith.constant 0 : i32
    %dma_wait3A_105 = arith.constant 0 : i32
    %dma_wait3A_106 = tpu.memref_slice %arg8[%dma_wait3A_104, %dma_wait3A_105] : memref<256x96xf32, #tpu.memory_space<vmem>> -> memref<128x96xf32, #tpu.memory_space<vmem>>
    %dma_wait3A_107 = arith.constant 0 : i32
    %dma_wait3A_108 = arith.constant 0 : i32
    %dma_wait3A_109 = tpu.memref_slice %arg3[%dma_wait3A_107, %dma_wait3A_108] : memref<1000000x96xf32, #tpu.memory_space<hbm>> -> memref<128x96xf32, #tpu.memory_space<hbm>>
    %dma_wait3A_110 = tpu.memref_slice %arg10[%dma_wait3A_103] : memref<2x!tpu.dma_semaphore, #tpu.memory_space<semaphore_mem>> -> memref<1x!tpu.dma_semaphore, #tpu.memory_space<semaphore_mem>>
    %dma_wait3A_111 = tpu.memref_squeeze %dma_wait3A_110 : memref<1x!tpu.dma_semaphore, #tpu.memory_space<semaphore_mem>> -> memref<!tpu.dma_semaphore, #tpu.memory_space<semaphore_mem>>
    %dma_wait3A_112 = arith.constant 0 : i32
    %dma_wait3A_113 = arith.constant 0 : i32
    %dma_wait3A_114 = tpu.memref_slice %arg8[%dma_wait3A_112, %dma_wait3A_113] : memref<256x96xf32, #tpu.memory_space<vmem>> -> memref<128x96xf32, #tpu.memory_space<vmem>>
    %dma_wait3A_115 = arith.constant 0 : i32
    %dma_wait3A_116 = arith.constant 0 : i32
    %dma_wait3A_117 = tpu.memref_slice %arg3[%dma_wait3A_115, %dma_wait3A_116] : memref<1000000x96xf32, #tpu.memory_space<hbm>> -> memref<128x96xf32, #tpu.memory_space<hbm>>
    tpu.wait_dma2 semaphore(%dma_wait3A_111 : memref<!tpu.dma_semaphore, #tpu.memory_space<semaphore_mem>>) src(%dma_wait3A_117 : memref<128x96xf32, #tpu.memory_space<hbm>>) dst(%dma_wait3A_114 : memref<128x96xf32, #tpu.memory_space<vmem>>)
    %dma_wait3A_118 = arith.constant 1 : i32
    %dma_wait3A_119 = arith.constant 0 : i32
    %dma_wait3A_120 = arith.constant 0 : i32
    %dma_wait3A_121 = tpu.memref_slice %arg9[%dma_wait3A_119, %dma_wait3A_120] : memref<256x96xf32, #tpu.memory_space<vmem>> -> memref<128x96xf32, #tpu.memory_space<vmem>>
    %dma_wait3A_122 = arith.constant 0 : i32
    %dma_wait3A_123 = arith.constant 0 : i32
    %dma_wait3A_124 = tpu.memref_slice %arg4[%dma_wait3A_122, %dma_wait3A_123] : memref<1000000x96xf32, #tpu.memory_space<hbm>> -> memref<128x96xf32, #tpu.memory_space<hbm>>
    %dma_wait3A_125 = tpu.memref_slice %arg11[%dma_wait3A_118] : memref<2x!tpu.dma_semaphore, #tpu.memory_space<semaphore_mem>> -> memref<1x!tpu.dma_semaphore, #tpu.memory_space<semaphore_mem>>
    %dma_wait3A_126 = tpu.memref_squeeze %dma_wait3A_125 : memref<1x!tpu.dma_semaphore, #tpu.memory_space<semaphore_mem>> -> memref<!tpu.dma_semaphore, #tpu.memory_space<semaphore_mem>>
    %dma_wait3A_127 = arith.constant 0 : i32
    %dma_wait3A_128 = arith.constant 0 : i32
    %dma_wait3A_129 = tpu.memref_slice %arg9[%dma_wait3A_127, %dma_wait3A_128] : memref<256x96xf32, #tpu.memory_space<vmem>> -> memref<128x96xf32, #tpu.memory_space<vmem>>
    %dma_wait3A_130 = arith.constant 0 : i32
    %dma_wait3A_131 = arith.constant 0 : i32
    %dma_wait3A_132 = tpu.memref_slice %arg4[%dma_wait3A_130, %dma_wait3A_131] : memref<1000000x96xf32, #tpu.memory_space<hbm>> -> memref<128x96xf32, #tpu.memory_space<hbm>>
    tpu.wait_dma2 semaphore(%dma_wait3A_126 : memref<!tpu.dma_semaphore, #tpu.memory_space<semaphore_mem>>) src(%dma_wait3A_132 : memref<128x96xf32, #tpu.memory_space<hbm>>) dst(%dma_wait3A_129 : memref<128x96xf32, #tpu.memory_space<vmem>>)
    %add3A_133 = arith.constant 256 : i32
    %add3A_134 = arith.addi %mul3A_2, %add3A_133 : i32
    "tpu.region"() ({
      %run_scoped3A = tpu.sem_alloc : memref<!tpu.dma_semaphore, #tpu.memory_space<semaphore_mem>>
      %dma_start3A = arith.constant 0 : i32
      %dma_start3A_135 = tpu.memref_slice %arg5[%add3A_134, %dma_start3A] : memref<16384x96xf32, #tpu.memory_space<hbm>> -> memref<256x96xf32, #tpu.memory_space<hbm>>
      %dma_start3A_136 = arith.constant 0 : i32
      %dma_start3A_137 = tpu.memref_slice %arg5[%add3A_134, %dma_start3A_136] : memref<16384x96xf32, #tpu.memory_space<hbm>> -> memref<256x96xf32, #tpu.memory_space<hbm>>
      tpu.enqueue_dma source(%arg8 : memref<256x96xf32, #tpu.memory_space<vmem>>) target(%dma_start3A_137 : memref<256x96xf32, #tpu.memory_space<hbm>>) target_semaphore(%run_scoped3A : memref<!tpu.dma_semaphore, #tpu.memory_space<semaphore_mem>>)
      %dma_wait3A_138 = arith.constant 0 : i32
      %dma_wait3A_139 = tpu.memref_slice %arg5[%add3A_134, %dma_wait3A_138] : memref<16384x96xf32, #tpu.memory_space<hbm>> -> memref<256x96xf32, #tpu.memory_space<hbm>>
      %dma_wait3A_140 = arith.constant 0 : i32
      %dma_wait3A_141 = tpu.memref_slice %arg5[%add3A_134, %dma_wait3A_140] : memref<16384x96xf32, #tpu.memory_space<hbm>> -> memref<256x96xf32, #tpu.memory_space<hbm>>
      tpu.wait_dma2 semaphore(%run_scoped3A : memref<!tpu.dma_semaphore, #tpu.memory_space<semaphore_mem>>) src(%arg8 : memref<256x96xf32, #tpu.memory_space<vmem>>) dst(%dma_wait3A_141 : memref<256x96xf32, #tpu.memory_space<hbm>>)
      tpu.yield
    }) : () -> ()
    "tpu.region"() ({
      %run_scoped3A = tpu.sem_alloc : memref<!tpu.dma_semaphore, #tpu.memory_space<semaphore_mem>>
      %dma_start3A = arith.constant 0 : i32
      %dma_start3A_135 = tpu.memref_slice %arg6[%add3A_134, %dma_start3A] : memref<16384x96xf32, #tpu.memory_space<hbm>> -> memref<256x96xf32, #tpu.memory_space<hbm>>
      %dma_start3A_136 = arith.constant 0 : i32
      %dma_start3A_137 = tpu.memref_slice %arg6[%add3A_134, %dma_start3A_136] : memref<16384x96xf32, #tpu.memory_space<hbm>> -> memref<256x96xf32, #tpu.memory_space<hbm>>
      tpu.enqueue_dma source(%arg9 : memref<256x96xf32, #tpu.memory_space<vmem>>) target(%dma_start3A_137 : memref<256x96xf32, #tpu.memory_space<hbm>>) target_semaphore(%run_scoped3A : memref<!tpu.dma_semaphore, #tpu.memory_space<semaphore_mem>>)
      %dma_wait3A_138 = arith.constant 0 : i32
      %dma_wait3A_139 = tpu.memref_slice %arg6[%add3A_134, %dma_wait3A_138] : memref<16384x96xf32, #tpu.memory_space<hbm>> -> memref<256x96xf32, #tpu.memory_space<hbm>>
      %dma_wait3A_140 = arith.constant 0 : i32
      %dma_wait3A_141 = tpu.memref_slice %arg6[%add3A_134, %dma_wait3A_140] : memref<16384x96xf32, #tpu.memory_space<hbm>> -> memref<256x96xf32, #tpu.memory_space<hbm>>
      tpu.wait_dma2 semaphore(%run_scoped3A : memref<!tpu.dma_semaphore, #tpu.memory_space<semaphore_mem>>) src(%arg9 : memref<256x96xf32, #tpu.memory_space<vmem>>) dst(%dma_wait3A_141 : memref<256x96xf32, #tpu.memory_space<hbm>>)
      tpu.yield
    }) : () -> ()
    return
  }
}

</mosaic_0001>

<sc_bundles>
// kernel: kernel.3.cloned.1.call-start
scs
__scs_entry_jumppad:
0x0: {  	(pc) =	sbr.rel $0x88, $3  }
0x1: {  	(tag) =	ssettag $0x0;
	lr =	simm.s32 $0x1  }
0x2: {  	[smem:$0x3F9E] =	sst lr;
	_ =	strace $0xD0000000  }
0x3: {  	_ = 	snop  }
0x4: {  	_ = 	snop  }
0x5: {  	_ = 	snop  }
0x6: {  	_ = 	snop  }
0x7: {  	_ = 	snop  }
__scs_overlays_trampoline_lowered:
0x8: {  	[smem:$0x3FAD] =	sst s0  }
0x9: {  	[smem:$0x3FAE] =	sst s1  }
0xa: {  	[smem:$0x3FAF] =	sst s2  }
0xb: {  	[smem:$0x3FB0] =	sst s3  }
0xc: {  	[smem:$0x3FB1] =	sst s4  }
0xd: {  	[smem:$0x3FB2] =	sst s5  }
0xe: {  	[smem:$0x3FB3] =	sst s6  }
0xf: {  	[smem:$0x3FB4] =	sst s7  }
0x10: {  	[smem:$0x3FB5] =	sst s8  }
0x11: {  	[smem:$0x3FB6] =	sst s9;
	s0 =	simm.s32 @!p0 $0x0  }
0x12: {  	s1 =	sld [smem:$0x3F9C];
	s0 =	simm.s32 @p0 $0x1  }
0x13: {  	[smem:$0x3FB7] =	sst s0;
	s0 =	simm.s32 @!p1 $0x0  }
0x14: {  	s2 =	sld [smem:$0x3F9B];
	s0 =	simm.s32 @p1 $0x1  }
0x15: {  	[smem:$0x3FB8] =	sst s0;
	s0 =	simm.s32 @!p2 $0x0  }
0x16: {  	s3 =	sld [smem:$0x3FDB];
	s0 =	simm.s32 @p2 $0x1  }
0x17: {  	s4 =	simm.s32 $0x1BF5;
	[smem:$0x3FBA] =	sst s0  }
0x18: {  	s0 =	sld [smem:$0x3F9D];
	_ =	swait.ge [sflag:s4], $0x0  }
0x19: {  	s7 =	sld [smem:$0x3F9E]  }
0x1a: {  	s8 =	sadd.s32 $0xFFFFE003, lr  }
0x1b: {  	s9 =	sadd.s32 $0xFFFFFEF7, lr;
	s5 =	simm.s32 $0xFFFFFFFF;
	p2 =	slt.u32 s8, $0xFFFFF086  }
0x1c: {  	p1 =	slt.u32 s9, $0xF7A;
	s5 =	simm.s32 @!p2 $0x0  }
0x1d: {  	s5 =	simm.s32 @p1 $0x1;
	p0 =	seq.s32 s7, s2  }
0x1e: {  	s7 =	smul.u32 @!p0 $0xF7A, s2;
	p2 =	seq.s32 @!p0 s5, $0x0  }
0x1f: {  	s9 =	smul.u32 $0xF7A, s1;
	s8 =	simm.s32 @!p0 $0x1BF5;
	p2 =	por !p2, p0  }
0x20: {  	[sflag:s8] =	ssyncset.s32 @!p0 $0xFFFFF086;
	s6 =	sadd.s32 @!p0 s3, s7;
	s7 =	simm.s32 @!p0 $0x108  }
0x21: {  	s3 =	sadd.s32 s3, s9;
	s6 =	sadd.s32 @!p0 $0x88, s6;
	s7 =	simm.s32 @p2 $0x1082  }
0x22: {  	[simem:s7], [sflag:s8] =	dma.local @!p0 [hbm:s6], $0xF7A  }
0x23: {  	s9 =	sor.u32 $0xD0000000, s2;
	s6 =	simm.s32 $0x108;
	_ =	swait.ge @!p0 [sflag:s8], $0x0  }
0x24: {  	s3 =	sadd.s32 $0x88, s3;
	s6 =	simm.s32 @!p1 $0x1082;
	[sflag:s4] =	ssyncset.s32 $0xFFFFF086  }
0x25: {  	[simem:s6], [sflag:s4] =	dma.local [hbm:s3], $0xF7A  }
0x26: {  	[smem:$0x3F9E] =	sst s1;
	(tag) =	ssettag s2;
	_ =	strace s9  }
0x27: {  	s1 =	sld [smem:$0x3FAE]  }
0x28: {  	s2 =	sld [smem:$0x3FAF]  }
0x29: {  	s4 =	sld [smem:$0x3FB1]  }
0x2a: {  	p0 =	seq.s32 s5, $0x0;
	s5 =	sld [smem:$0x3FB2]  }
0x2b: {  	s6 =	sld [smem:$0x3FB3]  }
0x2c: {  	s7 =	sld [smem:$0x3FB4]  }
0x2d: {  	s3 =	simm.s32 $0x108;
	s8 =	sld [smem:$0x3FB5]  }
0x2e: {  	s3 =	simm.s32 @!p0 $0x1082;
	s9 =	sld [smem:$0x3FB6]  }
0x2f: {  	lr =	sadd.s32 s0, s3;
	s0 =	sld [smem:$0x3FAD]  }
0x30: {  	s3 =	sld [smem:$0x3FB0]  }
0x31: {  	[smem:$0x3FB9] =	sst s10  }
0x32: {  	s10 =	sld [smem:$0x3FB7];
	_ =	sdelay $0x3  }
0x33: {  	p0 =	seq.s32 s10, $0x1;
	s10 =	sld [smem:$0x3FB9];
	_ =	sdelay $0x3  }
0x34: {  	[smem:$0x3FB9] =	sst s10  }
0x35: {  	s10 =	sld [smem:$0x3FB8];
	_ =	sdelay $0x3  }
0x36: {  	p1 =	seq.s32 s10, $0x1;
	s10 =	sld [smem:$0x3FB9];
	_ =	sdelay $0x3  }
0x37: {  	[smem:$0x3FB9] =	sst s10  }
0x38: {  	s10 =	sld [smem:$0x3FBA]  }
0x39: {  	_ = 	snop;
	(pc) =	sbr.ind lr, $3  }
0x3a: {  	_ = 	snop  }
0x3b: {  	_ = 	snop  }
0x3c: {  	p2 =	seq.s32 s10, $0x1;
	s10 =	sld [smem:$0x3FB9]  }
0x3d: {  	_ =	shalt  }
0x3e: {  	_ =	shalt  }
0x3f: {  	_ =	shalt  }
0x40: {  	_ =	shalt  }
0x41: {  	_ =	shalt  }
0x42: {  	_ =	shalt  }
0x43: {  	_ =	shalt  }
0x44: {  	_ =	shalt  }
0x45: {  	_ =	shalt  }
0x46: {  	_ =	shalt  }
0x47: {  	_ =	shalt  }
0x48: {  	_ =	shalt  }
0x49: {  	_ =	shalt  }
0x4a: {  	_ =	shalt  }
0x4b: {  	_ =	shalt  }
0x4c: {  	_ =	shalt  }
0x4d: {  	_ =	shalt  }
0x4e: {  	_ =	shalt  }
0x4f: {  	_ =	shalt  }
0x50: {  	_ =	shalt  }
0x51: {  	_ =	shalt  }
0x52: {  	_ =	shalt  }
0x53: {  	_ =	shalt  }
0x54: {  	_ =	shalt  }
0x55: {  	_ =	shalt  }
0x56: {  	_ =	shalt  }
0x57: {  	_ =	shalt  }
0x58: {  	_ =	shalt  }
0x59: {  	_ =	shalt  }
0x5a: {  	_ =	shalt  }
0x5b: {  	_ =	shalt  }
0x5c: {  	_ =	shalt  }
0x5d: {  	_ =	shalt  }
0x5e: {  	_ =	shalt  }
0x5f: {  	_ =	shalt  }
0x60: {  	_ =	shalt  }
0x61: {  	_ =	shalt  }
0x62: {  	_ =	shalt  }
0x63: {  	_ =	shalt  }
0x64: {  	_ =	shalt  }
0x65: {  	_ =	shalt  }
0x66: {  	_ =	shalt  }
0x67: {  	_ =	shalt  }
0x68: {  	_ =	shalt  }
0x69: {  	_ =	shalt  }
0x6a: {  	_ =	shalt  }
0x6b: {  	_ =	shalt  }
0x6c: {  	_ =	shalt  }
0x6d: {  	_ =	shalt  }
0x6e: {  	_ =	shalt  }
0x6f: {  	_ =	shalt  }
0x70: {  	_ =	shalt  }
0x71: {  	_ =	shalt  }
0x72: {  	_ =	shalt  }
0x73: {  	_ =	shalt  }
0x74: {  	_ =	shalt  }
0x75: {  	_ =	shalt  }
0x76: {  	_ =	shalt  }
0x77: {  	_ =	shalt  }
0x78: {  	_ =	shalt  }
0x79: {  	_ =	shalt  }
0x7a: {  	_ =	shalt  }
0x7b: {  	_ =	shalt  }
0x7c: {  	_ =	shalt  }
0x7d: {  	_ =	shalt  }
0x7e: {  	_ =	shalt  }
0x7f: {  	_ =	shalt  }
0x80: {  	_ =	shalt  }
0x81: {  	_ =	shalt  }
0x82: {  	_ =	shalt  }
0x83: {  	_ =	shalt  }
0x84: {  	_ =	shalt  }
0x85: {  	_ =	shalt  }
0x86: {  	_ =	shalt  }
0x87: {  	_ =	shalt  }
.Lfunc_end0:
.L_simem_size_0:
called_computation_lowered:
.L_overlay_start_0:
0x88: {  	s2 =	sld [smem:$0x3FD9]  }
0x89: {  	s3 =	sld [smem:$0x3FFE];
	_ =	sdelay $0x1  }
0x8a: {  	s1 =	srdreg.scid  }
0x8b: {  	s0 =	sand.u32 $0x1, s1  }
0x8c: {  	s17 =	sshll.u32 s0, $0xA;
	s2 =	sadd.s32 s3, s2  }
0x8d: {  	s2 =	sadd.s32 s2, s17  }
0x8e: {  	[smem:$0x3FC5] =	sst s2  }
0x8f: {  	_ = 	snop  }
0x90: {  	s2 =	sld [smem:$0x3FC9];
	(tm) =	ssettm $0x1  }
0x91: {  	s18 =	sld [smem:$0x3FFB];
	_ =	sdelay $0x3  }
0x92: {  	_ =	strace s18  }
0x93: {  	s3 =	sld [smem:$0x3FFC];
	_ =	sdelay $0x3  }
0x94: {  	_ =	strace s3  }
0x95: {  	s3 =	sld [smem:$0x3FFD];
	_ =	sdelay $0x3  }
0x96: {  	_ =	strace s3  }
0x97: {  	_ =	strace $0x8FFFFFFF  }
0x98: {  	s19 =	sld [smem:$0x3FDB];
	_ =	sdelay $0x1  }
0x99: {  	s4 =	simm.s32 $_scs_section_size  }
0x9a: {  	s5 =	simm.s32 $_size__tile_overlayer_lowered;
	s6 =	simm.s32 $_tile_overlayer_lowered  }
0x9b: {  	s22 =	simm.s32 $0x1BFF;
	s21 =	sshll.u32 s6, $0x1;
	s3 =	sadd.s32 s4, s19  }
0x9c: {  	s7 =	simm.s32 $0x0;
	s20 =	sshll.u32 s5, $0x1;
	s5 =	sadd.s32 s21, s3  }
0x9d: {  	[timem:s7], [sflag:s22] =	dma.local [hbm:s5], s20  }
0x9e: {  	_ =	swait.ge [sflag:s22], s20  }
0x9f: {  	s4 =	ssub.s32 $0x0, s20;
	[sflag:s22] =	ssyncset.done $0x0  }
0xa0: {  	[sflag:s22] =	ssyncadd.s32 s4;
	_ =	sdelay $0x1  }
0xa1: {  	s23 =	simm.s32 $0x1B8B  }
0xa2: {  	_ =	swait.ge [sflag:s23], $0x1  }
0xa3: {  	[sflag:s23] =	ssyncset.done $0x0  }
0xa4: {  	s25 =	simm.s32 $0x1B8E;
	s24 =	sld [smem:$0x3FFE];
	[sflag:s23] =	ssyncadd.s32 $0xFFFFFFFF  }
0xa5: {  	s26 =	simm.s32 $execute0_lowered;
	[smem:$0x3FD2] =	sst s25  }
0xa6: {  	s5 =	sshll.u32 s26, $0x1;
	_ =	strace $0x80000046;
	[dreg:$0x1] =	wrdreg $0xFFFFFFFF  }
0xa7: {  	s28 =	simm.s32 $_size_execute0_lowered;
	s3 =	sadd.s32 s3, s5;
	[dreg:$0x0] =	wrdreg $0x0  }
0xa8: {  	s5 =	sshll.u32 s28, $0x1;
	[dreg:$0x2] =	wrdreg s3  }
0xa9: {  	[dreg:$0x3] =	wrdreg s5  }
0xaa: {  	[dreg:$0x4] =	wrdreg $0xC0  }
0xab: {  	_ =	task [dreg:s7], $0x5FFFF  }
0xac: {  	[dreg:$0x1] =	wrdreg $0xFFFFFFFF  }
0xad: {  	[dreg:$0x0] =	wrdreg $0x60  }
0xae: {  	[dreg:$0x2] =	wrdreg s2  }
0xaf: {  	[dreg:$0x3] =	wrdreg s24  }
0xb0: {  	[dreg:$0x4] =	wrdreg $0x9  }
0xb1: {  	_ =	task.clear_ibuf [dreg:s7], $0x5FFFF;
	_ =	strace $0x90000046  }
0xb2: {  	s29 =	simm.s32 $0x9;
	_ =	strace $0x80000048  }
0xb3: {  	_ =	swait.ge [sflag:s29], $0x1  }
0xb4: {  	[sflag:s29] =	ssyncadd.s32 $0xFFFFFFFF  }
0xb5: {  	_ =	strace $0x90000048  }
0xb6: {  	_ =	sfence  }
0xb7: {  	s30 =	sld [smem:$0x0];
	_ =	sdelay $0x2  }
0xb8: {  	s31 =	sshll.u32 s1, $0xD;
	s1 =	sshrl.u32 s1, $0x2  }
0xb9: {  	s3 =	sand.u32 $0x4000, s31;
	s1 =	sadd.s32 s1, s30  }
0xba: {  	s0 =	sor.u32 s3, s0;
	s1 =	sshll.u32 s1, $0x11  }
0xbb: {  	s0 =	sor.u32 s1, s0  }
0xbc: {  	s0 =	sadd.s32 $0x8F2B, s0  }
0xbd: {  	[sflag:s0] =	ssyncadd.remote.s32 $0x1  }
0xbe: {  	_ =	sfence.sel $0xFFFF  }
0xbf: {  	[dreg:$0x0] =	wrdreg $0xFFFFFFFF;
	(pc) =	sbr.abs _section_cstart, $3  }
0xc0: {  	[dreg:$0x1] =	wrdreg $0xFFFFFFFF  }
0xc1: {  	_ =	task.clear_ibuf [dreg:s7], $0x2FFFF;
	_ =	strace $0x9FFFFFFF  }
0xc2: {  	(tm) =	ssettm $0x7FFFFFFF  }
0xc3: {  	_ =	shalt  }
tec
execute0_lowered:
.L_overlay_start_1:
0x0: {  	(tag) =	ssettag $0x1  }
0x1: {  	s5 =	rddreg [dreg:$0x0]  }
0x2: {  	s6 =	rddreg [dreg:$0x1]  }
0x3: {  	s0 =	rddreg [dreg:$0x2]  }
0x4: {  	s1 =	simm.s32 $0x0;
	s7 =	srdreg.scid;
	s2 =	stileid.u32  }
0x5: {  	s12 =	simm.s32 $0x1;
	s13 =	simm.s32 $0x3;
	s14 =	simm.s32 $0x2  }
0x6: {  	s15 =	simm.s32 $0x4;
	s16 =	simm.s32 $0x200;
	s17 =	simm.s32 $0x8200  }
0x7: {  	s18 =	simm.s32 $0x0;
	[smem:$0x7FF] =	sst s1;
	s3 =	sadd.s32 $0x800, s6  }
0x8: {  	s4 =	sadd.s32 $0xF42C00, s6;
	s8 =	sadd.s32 $0x1E85000, s6;
	s7 =	sand.u32 $0x1, s7  }
0x9: {  	s10 =	sshll.u32 s2, $0xA;
	s9 =	ssub.s32 $0x2, s7;
	s7 =	sshll.u32 s7, $0x9  }
0xa: {  	s11 =	sadd.s32 $0x1EC5000, s6;
	_ =	strace $0x80000047;
	s7 =	sor.u32 s7, s10  }
0xb: {  	s28 =	sshrl.u32 s9, $0x1;
	s30 =	sshrl.u32 s7, $0x3;
	s7 =	sshll.u32 s7, $0x4  }
0xc: {  	s29 =	ssub.s32 s9, s28;
	s5 =	sadd.s32 s5, s30;
	s6 =	sadd.s32 s8, s7  }
0xd: {  	s31 =	sor.u32 $0x1000, s7;
	s7 =	sadd.s32 s11, s7;
	s10 =	smax.u32 s29, $0x1  }
0xe: {  	s8 =	sadd.s32 s8, s31;
	s9 =	sadd.s32 s11, s31;
	s11 =	simm.s32 $0x5  }
.LBB2_1:
0xf: {  	[tilespmem:s1], [sflag:$0x5] =	stream.linear.gather [hbm4b:s5+s1], $0x200, $0x38;
	[tilespmem:$0x10200] =	vst v63  }
0x10: {  	_ =	swait.ge [sflag:s11], $0x200  }
0x11: {  	[sflag:s11] =	ssyncset.done $0x0  }
0x12: {  	[sflag:s11] =	ssyncadd.s32 $0xFFFFFE00  }
0x13: {  	v0 =	vld [tilespmem:s1+$0x0];
	_ =	sdelay $0x4  }
0x14: {  	v0 =	vshll.u32 v0, $0x4  }
0x15: {  	(v2sf) =	vpush v0, $0x0;
	_ =	sdelay $0x1  }
0x16: {  	(v2sf) =	vpush v0, $0x1;
	_ =	sdelay $0x3  }
0x17: {  	(v2sf) =	vpush v0, $0x2;
	_ =	sdelay $0x1  }
0x18: {  	(v2sf) =	vpush v0, $0x3;
	_ =	sdelay $0x3  }
0x19: {  	(v2sf) =	vpush v0, $0x4;
	_ =	sdelay $0x2  }
0x1a: {  	s22 =	simm.s32 $0x200;
	s19 =	spop (v2sf)  }
0x1b: {  	s30 =	simm.s32 $0x8200;
	s23 =	simm.s32 $0x280;
	s19 =	sand.u32 $0x1FFFFFF0, s19  }
0x1c: {  	s25 =	simm.s32 $0x8280;
	s20 =	spop (v2sf);
	s21 =	sadd.s32 s3, s19  }
0x1d: {  	(v2sf) =	vpush v0, $0x5;
	[tilespmem:s22], [sflag:$0x1] =	stream.linear.gather [hbm4b:s21+s1], $0x80, $0x38;
	[tilespmem:$0x10200] =	vst v63  }
0x1e: {  	s28 =	simm.s32 $0x300;
	s20 =	sand.u32 $0x1FFFFFF0, s20;
	s19 =	sadd.s32 s4, s19  }
0x1f: {  	(v2sf) =	vpush v0, $0x6;
	[tilespmem:s30], [sflag:$0x3] =	stream.linear.gather [hbm4b:s19+s1], $0x80, $0x38;
	[tilespmem:$0x10200] =	vst v63  }
0x20: {  	s31 =	spop (v2sf);
	s24 =	sadd.s32 s3, s20;
	s20 =	sadd.s32 s4, s20  }
0x21: {  	(v2sf) =	vpush v0, $0x7;
	[tilespmem:s23], [sflag:$0x2] =	stream.linear.gather [hbm4b:s24+s1], $0x80, $0x38;
	[tilespmem:$0x10200] =	vst v63  }
0x22: {  	s26 =	spop (v2sf);
	s22 =	simm.s32 $0x880;
	s19 =	sand.u32 $0x1FFFFFF0, s31  }
0x23: {  	[tilespmem:s25], [sflag:$0x4] =	stream.linear.gather [hbm4b:s20+s1], $0x80, $0x38;
	[tilespmem:$0x10200] =	vst v63  }
0x24: {  	s21 =	simm.s32 $0x8980;
	s30 =	simm.s32 $0x8300;
	s29 =	sadd.s32 s3, s19  }
0x25: {  	[tilespmem:s28], [sflag:$0x1] =	stream.linear.gather [hbm4b:s29+s1], $0x80, $0x38;
	[tilespmem:$0x10200] =	vst v63  }
0x26: {  	s31 =	spop (v2sf);
	s19 =	sadd.s32 s4, s19;
	s20 =	sand.u32 $0x1FFFFFF0, s26  }
0x27: {  	(v2sf) =	vpush v0, $0x8;
	[tilespmem:s30], [sflag:$0x3] =	stream.linear.gather [hbm4b:s19+s1], $0x80, $0x38;
	[tilespmem:$0x10200] =	vst v63  }
0x28: {  	s23 =	simm.s32 $0x380;
	s25 =	simm.s32 $0x8380;
	s24 =	sadd.s32 s3, s20  }
0x29: {  	[tilespmem:s23], [sflag:$0x2] =	stream.linear.gather [hbm4b:s24+s1], $0x80, $0x38;
	[tilespmem:$0x10200] =	vst v63  }
0x2a: {  	s20 =	sadd.s32 s4, s20;
	s28 =	simm.s32 $0x400;
	s19 =	sand.u32 $0x1FFFFFF0, s31  }
0x2b: {  	[tilespmem:s25], [sflag:$0x4] =	stream.linear.gather [hbm4b:s20+s1], $0x80, $0x38;
	[tilespmem:$0x10200] =	vst v63  }
0x2c: {  	s30 =	simm.s32 $0x8400;
	s29 =	sadd.s32 s3, s19;
	s26 =	spop (v2sf)  }
0x2d: {  	(v2sf) =	vpush v0, $0x9;
	[tilespmem:s28], [sflag:$0x1] =	stream.linear.gather [hbm4b:s29+s1], $0x80, $0x38;
	[tilespmem:$0x10200] =	vst v63  }
0x2e: {  	s19 =	sadd.s32 s4, s19;
	s31 =	spop (v2sf);
	s20 =	sand.u32 $0x1FFFFFF0, s26  }
0x2f: {  	(v2sf) =	vpush v0, $0xA;
	[tilespmem:s30], [sflag:$0x3] =	stream.linear.gather [hbm4b:s19+s1], $0x80, $0x38;
	[tilespmem:$0x10200] =	vst v63  }
0x30: {  	s23 =	simm.s32 $0x480;
	s26 =	spop (v2sf);
	s24 =	sadd.s32 s3, s20  }
0x31: {  	(v2sf) =	vpush v0, $0xB;
	[tilespmem:s23], [sflag:$0x2] =	stream.linear.gather [hbm4b:s24+s1], $0x80, $0x38;
	[tilespmem:$0x10200] =	vst v63  }
0x32: {  	s25 =	simm.s32 $0x8480;
	s20 =	sadd.s32 s4, s20;
	s19 =	sand.u32 $0x1FFFFFF0, s31  }
0x33: {  	[tilespmem:s25], [sflag:$0x4] =	stream.linear.gather [hbm4b:s20+s1], $0x80, $0x38;
	[tilespmem:$0x10200] =	vst v63  }
0x34: {  	s28 =	simm.s32 $0x500;
	s30 =	simm.s32 $0x8500;
	s29 =	sadd.s32 s3, s19  }
0x35: {  	[tilespmem:s28], [sflag:$0x1] =	stream.linear.gather [hbm4b:s29+s1], $0x80, $0x38;
	[tilespmem:$0x10200] =	vst v63  }
0x36: {  	s31 =	spop (v2sf);
	s19 =	sadd.s32 s4, s19;
	s20 =	sand.u32 $0x1FFFFFF0, s26  }
0x37: {  	(v2sf) =	vpush v0, $0xC;
	[tilespmem:s30], [sflag:$0x3] =	stream.linear.gather [hbm4b:s19+s1], $0x80, $0x38;
	[tilespmem:$0x10200] =	vst v63  }
0x38: {  	s23 =	simm.s32 $0x580;
	s25 =	simm.s32 $0x8580;
	s24 =	sadd.s32 s3, s20  }
0x39: {  	[tilespmem:s23], [sflag:$0x2] =	stream.linear.gather [hbm4b:s24+s1], $0x80, $0x38;
	[tilespmem:$0x10200] =	vst v63  }
0x3a: {  	s20 =	sadd.s32 s4, s20;
	s28 =	simm.s32 $0x600;
	s19 =	sand.u32 $0x1FFFFFF0, s31  }
0x3b: {  	[tilespmem:s25], [sflag:$0x4] =	stream.linear.gather [hbm4b:s20+s1], $0x80, $0x38;
	[tilespmem:$0x10200] =	vst v63  }
0x3c: {  	s30 =	simm.s32 $0x8600;
	s26 =	spop (v2sf);
	s29 =	sadd.s32 s3, s19  }
0x3d: {  	(v2sf) =	vpush v0, $0xD;
	[tilespmem:s28], [sflag:$0x1] =	stream.linear.gather [hbm4b:s29+s1], $0x80, $0x38;
	[tilespmem:$0x10200] =	vst v63  }
0x3e: {  	s19 =	sadd.s32 s4, s19;
	s31 =	spop (v2sf);
	s20 =	sand.u32 $0x1FFFFFF0, s26  }
0x3f: {  	(v2sf) =	vpush v0, $0xE;
	[tilespmem:s30], [sflag:$0x3] =	stream.linear.gather [hbm4b:s19+s1], $0x80, $0x38;
	[tilespmem:$0x10200] =	vst v63  }
0x40: {  	s23 =	simm.s32 $0x680;
	s26 =	spop (v2sf);
	s24 =	sadd.s32 s3, s20  }
0x41: {  	(v2sf) =	vpush v0, $0xF;
	[tilespmem:s23], [sflag:$0x2] =	stream.linear.gather [hbm4b:s24+s1], $0x80, $0x38;
	[tilespmem:$0x10200] =	vst v63  }
0x42: {  	s25 =	simm.s32 $0x8680;
	s20 =	sadd.s32 s4, s20;
	s19 =	sand.u32 $0x1FFFFFF0, s31  }
0x43: {  	[tilespmem:s25], [sflag:$0x4] =	stream.linear.gather [hbm4b:s20+s1], $0x80, $0x38;
	[tilespmem:$0x10200] =	vst v63  }
0x44: {  	s28 =	simm.s32 $0x700;
	s30 =	simm.s32 $0x8700;
	s29 =	sadd.s32 s3, s19  }
0x45: {  	[tilespmem:s28], [sflag:$0x1] =	stream.linear.gather [hbm4b:s29+s1], $0x80, $0x38;
	[tilespmem:$0x10200] =	vst v63  }
0x46: {  	s31 =	spop (v2sf);
	s19 =	sadd.s32 s4, s19;
	s20 =	sand.u32 $0x1FFFFFF0, s26  }
0x47: {  	[tilespmem:s30], [sflag:$0x3] =	stream.linear.gather [hbm4b:s19+s1], $0x80, $0x38;
	[tilespmem:$0x10200] =	vst v63  }
0x48: {  	s23 =	simm.s32 $0x780;
	s25 =	simm.s32 $0x8780;
	s24 =	sadd.s32 s3, s20  }
0x49: {  	[tilespmem:s23], [sflag:$0x2] =	stream.linear.gather [hbm4b:s24+s1], $0x80, $0x38;
	[tilespmem:$0x10200] =	vst v63  }
0x4a: {  	s20 =	sadd.s32 s4, s20;
	s28 =	simm.s32 $0x800;
	s19 =	sand.u32 $0x1FFFFFF0, s31  }
0x4b: {  	[tilespmem:s25], [sflag:$0x4] =	stream.linear.gather [hbm4b:s20+s1], $0x80, $0x38;
	[tilespmem:$0x10200] =	vst v63  }
0x4c: {  	s26 =	spop (v2sf);
	s30 =	simm.s32 $0x8800;
	s29 =	sadd.s32 s3, s19  }
0x4d: {  	[tilespmem:s28], [sflag:$0x1] =	stream.linear.gather [hbm4b:s29+s1], $0x80, $0x38;
	[tilespmem:$0x10200] =	vst v63  }
0x4e: {  	s19 =	sadd.s32 s4, s19;
	s31 =	spop (v2sf);
	s20 =	sand.u32 $0x1FFFFFF0, s26  }
0x4f: {  	[tilespmem:s30], [sflag:$0x3] =	stream.linear.gather [hbm4b:s19+s1], $0x80, $0x38;
	[tilespmem:$0x10200] =	vst v63  }
0x50: {  	s24 =	simm.s32 $0x8880;
	s25 =	spop (v2sf);
	s23 =	sadd.s32 s3, s20  }
0x51: {  	[tilespmem:s22], [sflag:$0x2] =	stream.linear.gather [hbm4b:s23+s1], $0x80, $0x38;
	[tilespmem:$0x10200] =	vst v63  }
0x52: {  	s26 =	simm.s32 $0x900;
	s20 =	sadd.s32 s4, s20;
	s19 =	sand.u32 $0x1FFFFFF0, s31  }
0x53: {  	[tilespmem:s24], [sflag:$0x4] =	stream.linear.gather [hbm4b:s20+s1], $0x80, $0x38;
	[tilespmem:$0x10200] =	vst v63  }
0x54: {  	s29 =	simm.s32 $0x8900;
	s28 =	sadd.s32 s3, s19;
	s20 =	sand.u32 $0x1FFFFFF0, s25  }
0x55: {  	[tilespmem:s26], [sflag:$0x1] =	stream.linear.gather [hbm4b:s28+s1], $0x80, $0x38;
	[tilespmem:$0x10200] =	vst v63  }
0x56: {  	s30 =	simm.s32 $0x980;
	s19 =	sadd.s32 s4, s19;
	s31 =	sadd.s32 s3, s20  }
0x57: {  	[tilespmem:s29], [sflag:$0x3] =	stream.linear.gather [hbm4b:s19+s1], $0x80, $0x38;
	[tilespmem:$0x10200] =	vst v63  }
0x58: {  	s22 =	sadd.s32 s4, s20;
	s20 =	simm.s32 $0x0;
	s19 =	simm.s32 $0x2000  }
0x59: {  	[tilespmem:s30], [sflag:$0x2] =	stream.linear.gather [hbm4b:s31+s1], $0x80, $0x38;
	[tilespmem:$0x10200] =	vst v63  }
.LBB2_2:
0x5a: {  	p0 =	sne.s32 s19, $0x1E000  }
0x5b: {  	s20 =	sadd.s32 $0x10, s20;
	s23 =	smov.u32 s19;
	s19 =	sadd.s32 $0x2000, s19  }
0x5c: {  	[tilespmem:s21], [sflag:$0x4] =	stream.linear.gather [hbm4b:s22+s1], $0x80, $0x38;
	[tilespmem:$0x10200] =	vst v63  }
0x5d: {  	v0 =	vld [tilespmem:s20+$0x0];
	_ =	sdelay $0x4  }
0x5e: {  	v0 =	vshll.u32 v0, $0x4  }
0x5f: {  	(v2sf) =	vpush v0, $0x0  }
0x60: {  	(v2sf) =	vpush v0, $0x1  }
0x61: {  	(v2sf) =	vpush v0, $0x2;
	_ =	sdelay $0x2  }
0x62: {  	(v2sf) =	vpush v0, $0x3;
	_ =	sdelay $0x3  }
0x63: {  	(v2sf) =	vpush v0, $0x4;
	_ =	sdelay $0x3  }
0x64: {  	(v2sf) =	vpush v0, $0x5;
	_ =	sdelay $0x1  }
0x65: {  	s22 =	spop (v2sf)  }
0x66: {  	s21 =	sshra.s32 s23, $0x2;
	s22 =	sand.u32 $0x1FFFFFF0, s22;
	s23 =	spop (v2sf)  }
0x67: {  	s25 =	sadd.s32 $0x8200, s21;
	s24 =	sadd.s32 s3, s22;
	s26 =	spop (v2sf);
	(v2sf) =	vpush v0, $0x6  }
0x68: {  	s28 =	sadd.s32 $0x200, s21;
	s23 =	sand.u32 $0x1FFFFFF0, s23;
	s26 =	sand.u32 $0x1FFFFFF0, s26  }
0x69: {  	[tilespmem:s28], [sflag:$0x1] =	stream.linear.gather [hbm4b:s24+s1], $0x80, $0x38;
	[tilespmem:$0x10200] =	vst v63  }
0x6a: {  	s22 =	sadd.s32 s4, s22;
	s24 =	sadd.s32 $0x280, s21;
	s28 =	spop (v2sf)  }
0x6b: {  	[tilespmem:s25], [sflag:$0x3] =	stream.linear.gather [hbm4b:s22+s1], $0x80, $0x38;
	(v2sf) =	vpush v0, $0x7;
	[tilespmem:$0x10200] =	vst v63  }
0x6c: {  	s22 =	sadd.s32 s3, s23;
	s25 =	sadd.s32 $0x8280, s21;
	s28 =	sand.u32 $0x1FFFFFF0, s28  }
0x6d: {  	[tilespmem:s24], [sflag:$0x2] =	stream.linear.gather [hbm4b:s22+s1], $0x80, $0x38;
	[tilespmem:$0x10200] =	vst v63  }
0x6e: {  	s22 =	sadd.s32 s4, s23;
	s23 =	sadd.s32 $0x300, s21;
	s24 =	spop (v2sf)  }
0x6f: {  	[tilespmem:s25], [sflag:$0x4] =	stream.linear.gather [hbm4b:s22+s1], $0x80, $0x38;
	[tilespmem:$0x10200] =	vst v63  }
0x70: {  	s22 =	sadd.s32 s3, s26;
	s25 =	sadd.s32 $0x8300, s21;
	s24 =	sand.u32 $0x1FFFFFF0, s24  }
0x71: {  	[tilespmem:s23], [sflag:$0x1] =	stream.linear.gather [hbm4b:s22+s1], $0x80, $0x38;
	(v2sf) =	vpush v0, $0x8;
	[tilespmem:$0x10200] =	vst v63  }
0x72: {  	s22 =	sadd.s32 s4, s26;
	s23 =	sadd.s32 $0x380, s21;
	s26 =	spop (v2sf)  }
0x73: {  	[tilespmem:s25], [sflag:$0x3] =	stream.linear.gather [hbm4b:s22+s1], $0x80, $0x38;
	[tilespmem:$0x10200] =	vst v63  }
0x74: {  	s22 =	sadd.s32 s3, s28;
	s25 =	sadd.s32 $0x8380, s21;
	s26 =	sand.u32 $0x1FFFFFF0, s26  }
0x75: {  	[tilespmem:s23], [sflag:$0x2] =	stream.linear.gather [hbm4b:s22+s1], $0x80, $0x38;
	(v2sf) =	vpush v0, $0x9;
	[tilespmem:$0x10200] =	vst v63  }
0x76: {  	s22 =	sadd.s32 s4, s28;
	s23 =	sadd.s32 $0x400, s21;
	s28 =	spop (v2sf)  }
0x77: {  	[tilespmem:s25], [sflag:$0x4] =	stream.linear.gather [hbm4b:s22+s1], $0x80, $0x38;
	[tilespmem:$0x10200] =	vst v63  }
0x78: {  	s22 =	sadd.s32 s3, s24;
	s25 =	sadd.s32 $0x8400, s21;
	s28 =	sand.u32 $0x1FFFFFF0, s28  }
0x79: {  	[tilespmem:s23], [sflag:$0x1] =	stream.linear.gather [hbm4b:s22+s1], $0x80, $0x38;
	(v2sf) =	vpush v0, $0xA;
	[tilespmem:$0x10200] =	vst v63  }
0x7a: {  	s22 =	sadd.s32 s4, s24;
	s23 =	sadd.s32 $0x480, s21;
	s24 =	spop (v2sf)  }
0x7b: {  	[tilespmem:s25], [sflag:$0x3] =	stream.linear.gather [hbm4b:s22+s1], $0x80, $0x38;
	[tilespmem:$0x10200] =	vst v63  }
0x7c: {  	s22 =	sadd.s32 s3, s26;
	s25 =	sadd.s32 $0x8480, s21;
	s24 =	sand.u32 $0x1FFFFFF0, s24  }
0x7d: {  	[tilespmem:s23], [sflag:$0x2] =	stream.linear.gather [hbm4b:s22+s1], $0x80, $0x38;
	(v2sf) =	vpush v0, $0xB;
	[tilespmem:$0x10200] =	vst v63  }
0x7e: {  	s22 =	sadd.s32 s4, s26;
	s23 =	sadd.s32 $0x500, s21;
	s26 =	sadd.s32 s3, s28  }
0x7f: {  	[tilespmem:s25], [sflag:$0x4] =	stream.linear.gather [hbm4b:s22+s1], $0x80, $0x38;
	[tilespmem:$0x10200] =	vst v63  }
0x80: {  	s22 =	sadd.s32 $0x8500, s21;
	s25 =	sadd.s32 s4, s28;
	s28 =	spop (v2sf)  }
0x81: {  	[tilespmem:s23], [sflag:$0x1] =	stream.linear.gather [hbm4b:s26+s1], $0x80, $0x38;
	(v2sf) =	vpush v0, $0xC;
	[tilespmem:$0x10200] =	vst v63  }
0x82: {  	s23 =	sadd.s32 $0x580, s21;
	s26 =	sadd.s32 s3, s24;
	s28 =	sand.u32 $0x1FFFFFF0, s28  }
0x83: {  	[tilespmem:s22], [sflag:$0x3] =	stream.linear.gather [hbm4b:s25+s1], $0x80, $0x38;
	[tilespmem:$0x10200] =	vst v63  }
0x84: {  	s24 =	sadd.s32 s4, s24;
	s22 =	sadd.s32 $0x8580, s21;
	s25 =	spop (v2sf)  }
0x85: {  	[tilespmem:s23], [sflag:$0x2] =	stream.linear.gather [hbm4b:s26+s1], $0x80, $0x38;
	(v2sf) =	vpush v0, $0xD;
	[tilespmem:$0x10200] =	vst v63  }
0x86: {  	s23 =	sadd.s32 $0x600, s21;
	s26 =	sadd.s32 s3, s28;
	s25 =	sand.u32 $0x1FFFFFF0, s25  }
0x87: {  	[tilespmem:s22], [sflag:$0x4] =	stream.linear.gather [hbm4b:s24+s1], $0x80, $0x38;
	[tilespmem:$0x10200] =	vst v63  }
0x88: {  	s22 =	sadd.s32 $0x8600, s21;
	s24 =	sadd.s32 s4, s28;
	s28 =	spop (v2sf)  }
0x89: {  	[tilespmem:s23], [sflag:$0x1] =	stream.linear.gather [hbm4b:s26+s1], $0x80, $0x38;
	(v2sf) =	vpush v0, $0xE;
	[tilespmem:$0x10200] =	vst v63  }
0x8a: {  	s23 =	sadd.s32 $0x680, s21;
	s26 =	sadd.s32 s3, s25;
	s28 =	sand.u32 $0x1FFFFFF0, s28  }
0x8b: {  	[tilespmem:s22], [sflag:$0x3] =	stream.linear.gather [hbm4b:s24+s1], $0x80, $0x38;
	[tilespmem:$0x10200] =	vst v63  }
0x8c: {  	s22 =	sadd.s32 $0x8680, s21;
	s24 =	sadd.s32 s4, s25;
	s25 =	spop (v2sf)  }
0x8d: {  	[tilespmem:s23], [sflag:$0x2] =	stream.linear.gather [hbm4b:s26+s1], $0x80, $0x38;
	(v2sf) =	vpush v0, $0xF;
	[tilespmem:$0x10200] =	vst v63  }
0x8e: {  	s23 =	sadd.s32 $0x700, s21;
	s26 =	sadd.s32 s3, s28;
	s25 =	sand.u32 $0x1FFFFFF0, s25  }
0x8f: {  	[tilespmem:s22], [sflag:$0x4] =	stream.linear.gather [hbm4b:s24+s1], $0x80, $0x38;
	[tilespmem:$0x10200] =	vst v63  }
0x90: {  	s22 =	sadd.s32 $0x8700, s21;
	s24 =	sadd.s32 s4, s28;
	s28 =	spop (v2sf)  }
0x91: {  	[tilespmem:s23], [sflag:$0x1] =	stream.linear.gather [hbm4b:s26+s1], $0x80, $0x38;
	[tilespmem:$0x10200] =	vst v63  }
0x92: {  	s23 =	sadd.s32 $0x780, s21;
	s26 =	sadd.s32 s3, s25;
	s28 =	sand.u32 $0x1FFFFFF0, s28  }
0x93: {  	[tilespmem:s22], [sflag:$0x3] =	stream.linear.gather [hbm4b:s24+s1], $0x80, $0x38;
	[tilespmem:$0x10200] =	vst v63  }
0x94: {  	s22 =	sadd.s32 $0x8780, s21;
	s24 =	sadd.s32 s4, s25;
	s25 =	spop (v2sf)  }
0x95: {  	[tilespmem:s23], [sflag:$0x2] =	stream.linear.gather [hbm4b:s26+s1], $0x80, $0x38;
	[tilespmem:$0x10200] =	vst v63  }
0x96: {  	s23 =	sadd.s32 $0x800, s21;
	s26 =	sadd.s32 s3, s28;
	s25 =	sand.u32 $0x1FFFFFF0, s25  }
0x97: {  	[tilespmem:s22], [sflag:$0x4] =	stream.linear.gather [hbm4b:s24+s1], $0x80, $0x38;
	[tilespmem:$0x10200] =	vst v63  }
0x98: {  	s22 =	sadd.s32 $0x8800, s21;
	s24 =	sadd.s32 s4, s28;
	s28 =	spop (v2sf)  }
0x99: {  	[tilespmem:s23], [sflag:$0x1] =	stream.linear.gather [hbm4b:s26+s1], $0x80, $0x38;
	[tilespmem:$0x10200] =	vst v63  }
0x9a: {  	s23 =	sadd.s32 $0x880, s21;
	s26 =	sadd.s32 s3, s25;
	s28 =	sand.u32 $0x1FFFFFF0, s28  }
0x9b: {  	[tilespmem:s22], [sflag:$0x3] =	stream.linear.gather [hbm4b:s24+s1], $0x80, $0x38;
	[tilespmem:$0x10200] =	vst v63  }
0x9c: {  	s22 =	sadd.s32 $0x8880, s21;
	s24 =	sadd.s32 s4, s25;
	s25 =	spop (v2sf)  }
0x9d: {  	[tilespmem:s23], [sflag:$0x2] =	stream.linear.gather [hbm4b:s26+s1], $0x80, $0x38;
	[tilespmem:$0x10200] =	vst v63  }
0x9e: {  	s23 =	sadd.s32 $0x900, s21;
	s26 =	sadd.s32 s3, s28;
	s25 =	sand.u32 $0x1FFFFFF0, s25  }
0x9f: {  	[tilespmem:s22], [sflag:$0x4] =	stream.linear.gather [hbm4b:s24+s1], $0x80, $0x38;
	[tilespmem:$0x10200] =	vst v63  }
0xa0: {  	s22 =	sadd.s32 $0x8900, s21;
	s24 =	sadd.s32 s4, s28  }
0xa1: {  	[tilespmem:s23], [sflag:$0x1] =	stream.linear.gather [hbm4b:s26+s1], $0x80, $0x38;
	[tilespmem:$0x10200] =	vst v63  }
.Ltmp0:
0xa2: {  	_ = 	snop;
	(pc) =	sbr.rel @p0 .LBB2_2-.Ltmp0, $4  }
0xa3: {  	s23 =	sadd.s32 $0x980, s21;
	s26 =	sadd.s32 s3, s25  }
0xa4: {  	[tilespmem:s22], [sflag:$0x3] =	stream.linear.gather [hbm4b:s24+s1], $0x80, $0x38;
	[tilespmem:$0x10200] =	vst v63  }
0xa5: {  	s21 =	sadd.s32 $0x8980, s21;
	s22 =	sadd.s32 s4, s25  }
0xa6: {  	[tilespmem:s23], [sflag:$0x2] =	stream.linear.gather [hbm4b:s26+s1], $0x80, $0x38;
	[tilespmem:$0x10200] =	vst v63  }
0xa7: {  	[tilespmem:s21], [sflag:$0x4] =	stream.linear.gather [hbm4b:s22+s1], $0x80, $0x38;
	[tilespmem:$0x10200] =	vst v63  }
0xa8: {  	_ =	swait.ge [sflag:s12], $0x4000  }
0xa9: {  	[sflag:s12] =	ssyncset.done $0x0  }
0xaa: {  	[sflag:s12] =	ssyncadd.s32 $0xFFFFC000  }
0xab: {  	_ =	swait.ge [sflag:s13], $0x4000  }
0xac: {  	[sflag:s13] =	ssyncset.done $0x0  }
0xad: {  	[sflag:s13] =	ssyncadd.s32 $0xFFFFC000  }
0xae: {  	_ =	swait.ge [sflag:s14], $0x4000  }
0xaf: {  	[sflag:s14] =	ssyncset.done $0x0  }
0xb0: {  	[sflag:s14] =	ssyncadd.s32 $0xFFFFC000  }
0xb1: {  	_ =	swait.ge [sflag:s15], $0x4000  }
0xb2: {  	[sflag:s15] =	ssyncset.done $0x0  }
0xb3: {  	s19 =	simm.s32 $0x0;
	[sflag:s15] =	ssyncadd.s32 $0xFFFFC000  }
0xb4: {  	[hbm4b:s6+s19] =	stream.linear.scatter [tilespmem:s16], [sflag:$0x5], $0x8000, $0x38;
	[tilespmem:$0x10200] =	vst v63  }
0xb5: {  	_ =	swait.ge [sflag:s11], $0x8000  }
0xb6: {  	[sflag:s11] =	ssyncset.done $0x0  }
0xb7: {  	[sflag:s11] =	ssyncadd.s32 $0xFFFF8000  }
0xb8: {  	[hbm4b:s7+s19] =	stream.linear.scatter [tilespmem:s17], [sflag:$0x5], $0x8000, $0x38;
	[tilespmem:$0x10200] =	vst v63  }
0xb9: {  	_ =	swait.ge [sflag:s11], $0x8000  }
0xba: {  	[sflag:s11] =	ssyncset.done $0x0  }
0xbb: {  	s19 =	sand.u32 $0xF0, s19;
	[sflag:s11] =	ssyncadd.s32 $0xFFFF8000  }
0xbc: {  	v0 =	vld [tilespmem:s19+$0x100];
	_ =	sdelay $0x4  }
0xbd: {  	v0 =	vshll.u32 v0, $0x4  }
0xbe: {  	(v2sf) =	vpush v0, $0x0;
	_ =	sdelay $0x1  }
0xbf: {  	(v2sf) =	vpush v0, $0x1;
	_ =	sdelay $0x3  }
0xc0: {  	(v2sf) =	vpush v0, $0x2;
	_ =	sdelay $0x1  }
0xc1: {  	(v2sf) =	vpush v0, $0x3;
	_ =	sdelay $0x3  }
0xc2: {  	(v2sf) =	vpush v0, $0x4;
	_ =	sdelay $0x2  }
0xc3: {  	s29 =	simm.s32 $0x200;
	s26 =	spop (v2sf)  }
0xc4: {  	s30 =	simm.s32 $0x8200;
	s23 =	simm.s32 $0x280;
	s19 =	sand.u32 $0x1FFFFFF0, s26  }
0xc5: {  	s25 =	simm.s32 $0x8280;
	s20 =	spop (v2sf);
	s28 =	sadd.s32 s3, s19  }
0xc6: {  	(v2sf) =	vpush v0, $0x5;
	[tilespmem:s29], [sflag:$0x1] =	stream.linear.gather [hbm4b:s28+s1], $0x80, $0x38;
	[tilespmem:$0x10200] =	vst v63  }
0xc7: {  	s22 =	simm.s32 $0x880;
	s20 =	sand.u32 $0x1FFFFFF0, s20;
	s19 =	sadd.s32 s4, s19  }
0xc8: {  	(v2sf) =	vpush v0, $0x6;
	[tilespmem:s30], [sflag:$0x3] =	stream.linear.gather [hbm4b:s19+s1], $0x80, $0x38;
	[tilespmem:$0x10200] =	vst v63  }
0xc9: {  	s21 =	simm.s32 $0x8980;
	s31 =	spop (v2sf);
	s24 =	sadd.s32 s3, s20  }
0xca: {  	(v2sf) =	vpush v0, $0x7;
	[tilespmem:s23], [sflag:$0x2] =	stream.linear.gather [hbm4b:s24+s1], $0x80, $0x38;
	[tilespmem:$0x10200] =	vst v63  }
0xcb: {  	s20 =	sadd.s32 s4, s20;
	s26 =	spop (v2sf);
	s19 =	sand.u32 $0x1FFFFFF0, s31  }
0xcc: {  	[tilespmem:s25], [sflag:$0x4] =	stream.linear.gather [hbm4b:s20+s1], $0x80, $0x38;
	[tilespmem:$0x10200] =	vst v63  }
0xcd: {  	s28 =	simm.s32 $0x300;
	s30 =	simm.s32 $0x8300;
	s29 =	sadd.s32 s3, s19  }
0xce: {  	[tilespmem:s28], [sflag:$0x1] =	stream.linear.gather [hbm4b:s29+s1], $0x80, $0x38;
	[tilespmem:$0x10200] =	vst v63  }
0xcf: {  	s31 =	spop (v2sf);
	s19 =	sadd.s32 s4, s19;
	s20 =	sand.u32 $0x1FFFFFF0, s26  }
0xd0: {  	(v2sf) =	vpush v0, $0x8;
	[tilespmem:s30], [sflag:$0x3] =	stream.linear.gather [hbm4b:s19+s1], $0x80, $0x38;
	[tilespmem:$0x10200] =	vst v63  }
0xd1: {  	s23 =	simm.s32 $0x380;
	s25 =	simm.s32 $0x8380;
	s24 =	sadd.s32 s3, s20  }
0xd2: {  	[tilespmem:s23], [sflag:$0x2] =	stream.linear.gather [hbm4b:s24+s1], $0x80, $0x38;
	[tilespmem:$0x10200] =	vst v63  }
0xd3: {  	s20 =	sadd.s32 s4, s20;
	s28 =	simm.s32 $0x400;
	s19 =	sand.u32 $0x1FFFFFF0, s31  }
0xd4: {  	[tilespmem:s25], [sflag:$0x4] =	stream.linear.gather [hbm4b:s20+s1], $0x80, $0x38;
	[tilespmem:$0x10200] =	vst v63  }
0xd5: {  	s30 =	simm.s32 $0x8400;
	s29 =	sadd.s32 s3, s19;
	s26 =	spop (v2sf)  }
0xd6: {  	(v2sf) =	vpush v0, $0x9;
	[tilespmem:s28], [sflag:$0x1] =	stream.linear.gather [hbm4b:s29+s1], $0x80, $0x38;
	[tilespmem:$0x10200] =	vst v63  }
0xd7: {  	s19 =	sadd.s32 s4, s19;
	s31 =	spop (v2sf);
	s20 =	sand.u32 $0x1FFFFFF0, s26  }
0xd8: {  	(v2sf) =	vpush v0, $0xA;
	[tilespmem:s30], [sflag:$0x3] =	stream.linear.gather [hbm4b:s19+s1], $0x80, $0x38;
	[tilespmem:$0x10200] =	vst v63  }
0xd9: {  	s23 =	simm.s32 $0x480;
	s26 =	spop (v2sf);
	s24 =	sadd.s32 s3, s20  }
0xda: {  	(v2sf) =	vpush v0, $0xB;
	[tilespmem:s23], [sflag:$0x2] =	stream.linear.gather [hbm4b:s24+s1], $0x80, $0x38;
	[tilespmem:$0x10200] =	vst v63  }
0xdb: {  	s25 =	simm.s32 $0x8480;
	s20 =	sadd.s32 s4, s20;
	s19 =	sand.u32 $0x1FFFFFF0, s31  }
0xdc: {  	[tilespmem:s25], [sflag:$0x4] =	stream.linear.gather [hbm4b:s20+s1], $0x80, $0x38;
	[tilespmem:$0x10200] =	vst v63  }
0xdd: {  	s28 =	simm.s32 $0x500;
	s30 =	simm.s32 $0x8500;
	s29 =	sadd.s32 s3, s19  }
0xde: {  	[tilespmem:s28], [sflag:$0x1] =	stream.linear.gather [hbm4b:s29+s1], $0x80, $0x38;
	[tilespmem:$0x10200] =	vst v63  }
0xdf: {  	s31 =	spop (v2sf);
	s19 =	sadd.s32 s4, s19;
	s20 =	sand.u32 $0x1FFFFFF0, s26  }
0xe0: {  	(v2sf) =	vpush v0, $0xC;
	[tilespmem:s30], [sflag:$0x3] =	stream.linear.gather [hbm4b:s19+s1], $0x80, $0x38;
	[tilespmem:$0x10200] =	vst v63  }
0xe1: {  	s23 =	simm.s32 $0x580;
	s25 =	simm.s32 $0x8580;
	s24 =	sadd.s32 s3, s20  }
0xe2: {  	[tilespmem:s23], [sflag:$0x2] =	stream.linear.gather [hbm4b:s24+s1], $0x80, $0x38;
	[tilespmem:$0x10200] =	vst v63  }
0xe3: {  	s20 =	sadd.s32 s4, s20;
	s28 =	simm.s32 $0x600;
	s19 =	sand.u32 $0x1FFFFFF0, s31  }
0xe4: {  	[tilespmem:s25], [sflag:$0x4] =	stream.linear.gather [hbm4b:s20+s1], $0x80, $0x38;
	[tilespmem:$0x10200] =	vst v63  }
0xe5: {  	s30 =	simm.s32 $0x8600;
	s26 =	spop (v2sf);
	s29 =	sadd.s32 s3, s19  }
0xe6: {  	(v2sf) =	vpush v0, $0xD;
	[tilespmem:s28], [sflag:$0x1] =	stream.linear.gather [hbm4b:s29+s1], $0x80, $0x38;
	[tilespmem:$0x10200] =	vst v63  }
0xe7: {  	s19 =	sadd.s32 s4, s19;
	s31 =	spop (v2sf);
	s20 =	sand.u32 $0x1FFFFFF0, s26  }
0xe8: {  	(v2sf) =	vpush v0, $0xE;
	[tilespmem:s30], [sflag:$0x3] =	stream.linear.gather [hbm4b:s19+s1], $0x80, $0x38;
	[tilespmem:$0x10200] =	vst v63  }
0xe9: {  	s23 =	simm.s32 $0x680;
	s26 =	spop (v2sf);
	s24 =	sadd.s32 s3, s20  }
0xea: {  	(v2sf) =	vpush v0, $0xF;
	[tilespmem:s23], [sflag:$0x2] =	stream.linear.gather [hbm4b:s24+s1], $0x80, $0x38;
	[tilespmem:$0x10200] =	vst v63  }
0xeb: {  	s25 =	simm.s32 $0x8680;
	s20 =	sadd.s32 s4, s20;
	s19 =	sand.u32 $0x1FFFFFF0, s31  }
0xec: {  	[tilespmem:s25], [sflag:$0x4] =	stream.linear.gather [hbm4b:s20+s1], $0x80, $0x38;
	[tilespmem:$0x10200] =	vst v63  }
0xed: {  	s28 =	simm.s32 $0x700;
	s30 =	simm.s32 $0x8700;
	s29 =	sadd.s32 s3, s19  }
0xee: {  	[tilespmem:s28], [sflag:$0x1] =	stream.linear.gather [hbm4b:s29+s1], $0x80, $0x38;
	[tilespmem:$0x10200] =	vst v63  }
0xef: {  	s31 =	spop (v2sf);
	s19 =	sadd.s32 s4, s19;
	s20 =	sand.u32 $0x1FFFFFF0, s26  }
0xf0: {  	[tilespmem:s30], [sflag:$0x3] =	stream.linear.gather [hbm4b:s19+s1], $0x80, $0x38;
	[tilespmem:$0x10200] =	vst v63  }
0xf1: {  	s23 =	simm.s32 $0x780;
	s25 =	simm.s32 $0x8780;
	s24 =	sadd.s32 s3, s20  }
0xf2: {  	[tilespmem:s23], [sflag:$0x2] =	stream.linear.gather [hbm4b:s24+s1], $0x80, $0x38;
	[tilespmem:$0x10200] =	vst v63  }
0xf3: {  	s20 =	sadd.s32 s4, s20;
	s28 =	simm.s32 $0x800;
	s19 =	sand.u32 $0x1FFFFFF0, s31  }
0xf4: {  	[tilespmem:s25], [sflag:$0x4] =	stream.linear.gather [hbm4b:s20+s1], $0x80, $0x38;
	[tilespmem:$0x10200] =	vst v63  }
0xf5: {  	s26 =	spop (v2sf);
	s30 =	simm.s32 $0x8800;
	s29 =	sadd.s32 s3, s19  }
0xf6: {  	[tilespmem:s28], [sflag:$0x1] =	stream.linear.gather [hbm4b:s29+s1], $0x80, $0x38;
	[tilespmem:$0x10200] =	vst v63  }
0xf7: {  	s19 =	sadd.s32 s4, s19;
	s31 =	spop (v2sf);
	s20 =	sand.u32 $0x1FFFFFF0, s26  }
0xf8: {  	[tilespmem:s30], [sflag:$0x3] =	stream.linear.gather [hbm4b:s19+s1], $0x80, $0x38;
	[tilespmem:$0x10200] =	vst v63  }
0xf9: {  	s24 =	simm.s32 $0x8880;
	s25 =	spop (v2sf);
	s23 =	sadd.s32 s3, s20  }
0xfa: {  	[tilespmem:s22], [sflag:$0x2] =	stream.linear.gather [hbm4b:s23+s1], $0x80, $0x38;
	[tilespmem:$0x10200] =	vst v63  }
0xfb: {  	s26 =	simm.s32 $0x900;
	s20 =	sadd.s32 s4, s20;
	s19 =	sand.u32 $0x1FFFFFF0, s31  }
0xfc: {  	[tilespmem:s24], [sflag:$0x4] =	stream.linear.gather [hbm4b:s20+s1], $0x80, $0x38;
	[tilespmem:$0x10200] =	vst v63  }
0xfd: {  	s29 =	simm.s32 $0x8900;
	s28 =	sadd.s32 s3, s19;
	s20 =	sand.u32 $0x1FFFFFF0, s25  }
0xfe: {  	[tilespmem:s26], [sflag:$0x1] =	stream.linear.gather [hbm4b:s28+s1], $0x80, $0x38;
	[tilespmem:$0x10200] =	vst v63  }
0xff: {  	s30 =	simm.s32 $0x980;
	s19 =	sadd.s32 s4, s19;
	s31 =	sadd.s32 s3, s20  }
0x100: {  	[tilespmem:s29], [sflag:$0x3] =	stream.linear.gather [hbm4b:s19+s1], $0x80, $0x38;
	[tilespmem:$0x10200] =	vst v63  }
0x101: {  	s22 =	sadd.s32 s4, s20;
	s20 =	simm.s32 $0x10;
	s19 =	simm.s32 $0x2000  }
0x102: {  	[tilespmem:s30], [sflag:$0x2] =	stream.linear.gather [hbm4b:s31+s1], $0x80, $0x38;
	[tilespmem:$0x10200] =	vst v63  }
.LBB2_4:
0x103: {  	s23 =	sand.u32 $0xF0, s20  }
0x104: {  	p0 =	sne.s32 s19, $0x1E000;
	s24 =	smov.u32 s19;
	s19 =	sadd.s32 $0x2000, s19  }
0x105: {  	[tilespmem:s21], [sflag:$0x4] =	stream.linear.gather [hbm4b:s22+s1], $0x80, $0x38;
	[tilespmem:$0x10200] =	vst v63  }
0x106: {  	v0 =	vld [tilespmem:s23+$0x100];
	_ =	sdelay $0x4  }
0x107: {  	v0 =	vshll.u32 v0, $0x4  }
0x108: {  	(v2sf) =	vpush v0, $0x0  }
0x109: {  	(v2sf) =	vpush v0, $0x1  }
0x10a: {  	(v2sf) =	vpush v0, $0x2;
	_ =	sdelay $0x2  }
0x10b: {  	(v2sf) =	vpush v0, $0x3;
	_ =	sdelay $0x3  }
0x10c: {  	(v2sf) =	vpush v0, $0x4;
	_ =	sdelay $0x3  }
0x10d: {  	(v2sf) =	vpush v0, $0x5;
	_ =	sdelay $0x1  }
0x10e: {  	s22 =	spop (v2sf)  }
0x10f: {  	s21 =	sshra.s32 s24, $0x2;
	s22 =	sand.u32 $0x1FFFFFF0, s22;
	s23 =	spop (v2sf)  }
0x110: {  	s25 =	sadd.s32 $0x8200, s21;
	s24 =	sadd.s32 s3, s22;
	s26 =	spop (v2sf);
	(v2sf) =	vpush v0, $0x6  }
0x111: {  	s28 =	sadd.s32 $0x200, s21;
	s23 =	sand.u32 $0x1FFFFFF0, s23;
	s26 =	sand.u32 $0x1FFFFFF0, s26  }
0x112: {  	[tilespmem:s28], [sflag:$0x1] =	stream.linear.gather [hbm4b:s24+s1], $0x80, $0x38;
	[tilespmem:$0x10200] =	vst v63  }
0x113: {  	s22 =	sadd.s32 s4, s22;
	s24 =	sadd.s32 $0x280, s21;
	s28 =	spop (v2sf)  }
0x114: {  	[tilespmem:s25], [sflag:$0x3] =	stream.linear.gather [hbm4b:s22+s1], $0x80, $0x38;
	(v2sf) =	vpush v0, $0x7;
	[tilespmem:$0x10200] =	vst v63  }
0x115: {  	s22 =	sadd.s32 s3, s23;
	s25 =	sadd.s32 $0x8280, s21;
	s28 =	sand.u32 $0x1FFFFFF0, s28  }
0x116: {  	[tilespmem:s24], [sflag:$0x2] =	stream.linear.gather [hbm4b:s22+s1], $0x80, $0x38;
	[tilespmem:$0x10200] =	vst v63  }
0x117: {  	s22 =	sadd.s32 s4, s23;
	s23 =	sadd.s32 $0x300, s21;
	s24 =	spop (v2sf)  }
0x118: {  	[tilespmem:s25], [sflag:$0x4] =	stream.linear.gather [hbm4b:s22+s1], $0x80, $0x38;
	[tilespmem:$0x10200] =	vst v63  }
0x119: {  	s22 =	sadd.s32 s3, s26;
	s25 =	sadd.s32 $0x8300, s21;
	s24 =	sand.u32 $0x1FFFFFF0, s24  }
0x11a: {  	[tilespmem:s23], [sflag:$0x1] =	stream.linear.gather [hbm4b:s22+s1], $0x80, $0x38;
	(v2sf) =	vpush v0, $0x8;
	[tilespmem:$0x10200] =	vst v63  }
0x11b: {  	s22 =	sadd.s32 s4, s26;
	s23 =	sadd.s32 $0x380, s21;
	s26 =	spop (v2sf)  }
0x11c: {  	[tilespmem:s25], [sflag:$0x3] =	stream.linear.gather [hbm4b:s22+s1], $0x80, $0x38;
	[tilespmem:$0x10200] =	vst v63  }
0x11d: {  	s22 =	sadd.s32 s3, s28;
	s25 =	sadd.s32 $0x8380, s21;
	s26 =	sand.u32 $0x1FFFFFF0, s26  }
0x11e: {  	[tilespmem:s23], [sflag:$0x2] =	stream.linear.gather [hbm4b:s22+s1], $0x80, $0x38;
	(v2sf) =	vpush v0, $0x9;
	[tilespmem:$0x10200] =	vst v63  }
0x11f: {  	s22 =	sadd.s32 s4, s28;
	s23 =	sadd.s32 $0x400, s21;
	s28 =	spop (v2sf)  }
0x120: {  	[tilespmem:s25], [sflag:$0x4] =	stream.linear.gather [hbm4b:s22+s1], $0x80, $0x38;
	[tilespmem:$0x10200] =	vst v63  }
0x121: {  	s22 =	sadd.s32 s3, s24;
	s25 =	sadd.s32 $0x8400, s21;
	s28 =	sand.u32 $0x1FFFFFF0, s28  }
0x122: {  	[tilespmem:s23], [sflag:$0x1] =	stream.linear.gather [hbm4b:s22+s1], $0x80, $0x38;
	(v2sf) =	vpush v0, $0xA;
	[tilespmem:$0x10200] =	vst v63  }
0x123: {  	s22 =	sadd.s32 s4, s24;
	s23 =	sadd.s32 $0x480, s21;
	s24 =	spop (v2sf)  }
0x124: {  	[tilespmem:s25], [sflag:$0x3] =	stream.linear.gather [hbm4b:s22+s1], $0x80, $0x38;
	[tilespmem:$0x10200] =	vst v63  }
0x125: {  	s22 =	sadd.s32 s3, s26;
	s25 =	sadd.s32 $0x8480, s21;
	s24 =	sand.u32 $0x1FFFFFF0, s24  }
0x126: {  	[tilespmem:s23], [sflag:$0x2] =	stream.linear.gather [hbm4b:s22+s1], $0x80, $0x38;
	(v2sf) =	vpush v0, $0xB;
	[tilespmem:$0x10200] =	vst v63  }
0x127: {  	s22 =	sadd.s32 s4, s26;
	s23 =	sadd.s32 $0x500, s21;
	s26 =	sadd.s32 s3, s28  }
0x128: {  	[tilespmem:s25], [sflag:$0x4] =	stream.linear.gather [hbm4b:s22+s1], $0x80, $0x38;
	[tilespmem:$0x10200] =	vst v63  }
0x129: {  	s22 =	sadd.s32 $0x8500, s21;
	s25 =	sadd.s32 s4, s28;
	s28 =	spop (v2sf)  }
0x12a: {  	[tilespmem:s23], [sflag:$0x1] =	stream.linear.gather [hbm4b:s26+s1], $0x80, $0x38;
	(v2sf) =	vpush v0, $0xC;
	[tilespmem:$0x10200] =	vst v63  }
0x12b: {  	s23 =	sadd.s32 $0x580, s21;
	s26 =	sadd.s32 s3, s24;
	s28 =	sand.u32 $0x1FFFFFF0, s28  }
0x12c: {  	[tilespmem:s22], [sflag:$0x3] =	stream.linear.gather [hbm4b:s25+s1], $0x80, $0x38;
	[tilespmem:$0x10200] =	vst v63  }
0x12d: {  	s24 =	sadd.s32 s4, s24;
	s22 =	sadd.s32 $0x8580, s21;
	s25 =	spop (v2sf)  }
0x12e: {  	[tilespmem:s23], [sflag:$0x2] =	stream.linear.gather [hbm4b:s26+s1], $0x80, $0x38;
	(v2sf) =	vpush v0, $0xD;
	[tilespmem:$0x10200] =	vst v63  }
0x12f: {  	s23 =	sadd.s32 $0x600, s21;
	s26 =	sadd.s32 s3, s28;
	s25 =	sand.u32 $0x1FFFFFF0, s25  }
0x130: {  	[tilespmem:s22], [sflag:$0x4] =	stream.linear.gather [hbm4b:s24+s1], $0x80, $0x38;
	[tilespmem:$0x10200] =	vst v63  }
0x131: {  	s22 =	sadd.s32 $0x8600, s21;
	s24 =	sadd.s32 s4, s28;
	s28 =	spop (v2sf)  }
0x132: {  	[tilespmem:s23], [sflag:$0x1] =	stream.linear.gather [hbm4b:s26+s1], $0x80, $0x38;
	(v2sf) =	vpush v0, $0xE;
	[tilespmem:$0x10200] =	vst v63  }
0x133: {  	s23 =	sadd.s32 $0x680, s21;
	s26 =	sadd.s32 s3, s25;
	s28 =	sand.u32 $0x1FFFFFF0, s28  }
0x134: {  	[tilespmem:s22], [sflag:$0x3] =	stream.linear.gather [hbm4b:s24+s1], $0x80, $0x38;
	[tilespmem:$0x10200] =	vst v63  }
0x135: {  	s22 =	sadd.s32 $0x8680, s21;
	s24 =	sadd.s32 s4, s25;
	s25 =	spop (v2sf)  }
0x136: {  	[tilespmem:s23], [sflag:$0x2] =	stream.linear.gather [hbm4b:s26+s1], $0x80, $0x38;
	(v2sf) =	vpush v0, $0xF;
	[tilespmem:$0x10200] =	vst v63  }
0x137: {  	s23 =	sadd.s32 $0x700, s21;
	s26 =	sadd.s32 s3, s28;
	s25 =	sand.u32 $0x1FFFFFF0, s25  }
0x138: {  	[tilespmem:s22], [sflag:$0x4] =	stream.linear.gather [hbm4b:s24+s1], $0x80, $0x38;
	[tilespmem:$0x10200] =	vst v63  }
0x139: {  	s22 =	sadd.s32 $0x8700, s21;
	s24 =	sadd.s32 s4, s28;
	s28 =	spop (v2sf)  }
0x13a: {  	[tilespmem:s23], [sflag:$0x1] =	stream.linear.gather [hbm4b:s26+s1], $0x80, $0x38;
	[tilespmem:$0x10200] =	vst v63  }
0x13b: {  	s23 =	sadd.s32 $0x780, s21;
	s26 =	sadd.s32 s3, s25;
	s28 =	sand.u32 $0x1FFFFFF0, s28  }
0x13c: {  	[tilespmem:s22], [sflag:$0x3] =	stream.linear.gather [hbm4b:s24+s1], $0x80, $0x38;
	[tilespmem:$0x10200] =	vst v63  }
0x13d: {  	s22 =	sadd.s32 $0x8780, s21;
	s24 =	sadd.s32 s4, s25;
	s25 =	spop (v2sf)  }
0x13e: {  	[tilespmem:s23], [sflag:$0x2] =	stream.linear.gather [hbm4b:s26+s1], $0x80, $0x38;
	[tilespmem:$0x10200] =	vst v63  }
0x13f: {  	s23 =	sadd.s32 $0x800, s21;
	s26 =	sadd.s32 s3, s28;
	s25 =	sand.u32 $0x1FFFFFF0, s25  }
0x140: {  	[tilespmem:s22], [sflag:$0x4] =	stream.linear.gather [hbm4b:s24+s1], $0x80, $0x38;
	[tilespmem:$0x10200] =	vst v63  }
0x141: {  	s22 =	sadd.s32 $0x8800, s21;
	s24 =	sadd.s32 s4, s28;
	s28 =	spop (v2sf)  }
0x142: {  	[tilespmem:s23], [sflag:$0x1] =	stream.linear.gather [hbm4b:s26+s1], $0x80, $0x38;
	[tilespmem:$0x10200] =	vst v63  }
0x143: {  	s23 =	sadd.s32 $0x880, s21;
	s26 =	sadd.s32 s3, s25;
	s28 =	sand.u32 $0x1FFFFFF0, s28  }
0x144: {  	[tilespmem:s22], [sflag:$0x3] =	stream.linear.gather [hbm4b:s24+s1], $0x80, $0x38;
	[tilespmem:$0x10200] =	vst v63  }
0x145: {  	s22 =	sadd.s32 $0x8880, s21;
	s24 =	sadd.s32 s4, s25;
	s25 =	spop (v2sf)  }
0x146: {  	[tilespmem:s23], [sflag:$0x2] =	stream.linear.gather [hbm4b:s26+s1], $0x80, $0x38;
	[tilespmem:$0x10200] =	vst v63  }
0x147: {  	s23 =	sadd.s32 $0x900, s21;
	s26 =	sadd.s32 s3, s28;
	s25 =	sand.u32 $0x1FFFFFF0, s25  }
0x148: {  	[tilespmem:s22], [sflag:$0x4] =	stream.linear.gather [hbm4b:s24+s1], $0x80, $0x38;
	[tilespmem:$0x10200] =	vst v63  }
0x149: {  	s22 =	sadd.s32 $0x8900, s21;
	s24 =	sadd.s32 s4, s28  }
0x14a: {  	[tilespmem:s23], [sflag:$0x1] =	stream.linear.gather [hbm4b:s26+s1], $0x80, $0x38;
	[tilespmem:$0x10200] =	vst v63  }
.Ltmp1:
0x14b: {  	_ = 	snop;
	(pc) =	sbr.rel @p0 .LBB2_4-.Ltmp1, $4  }
0x14c: {  	s23 =	sadd.s32 $0x980, s21;
	s26 =	sadd.s32 s3, s25  }
0x14d: {  	[tilespmem:s22], [sflag:$0x3] =	stream.linear.gather [hbm4b:s24+s1], $0x80, $0x38;
	[tilespmem:$0x10200] =	vst v63  }
0x14e: {  	s20 =	sadd.s32 $0x10, s20;
	s21 =	sadd.s32 $0x8980, s21;
	s22 =	sadd.s32 s4, s25  }
0x14f: {  	[tilespmem:s23], [sflag:$0x2] =	stream.linear.gather [hbm4b:s26+s1], $0x80, $0x38;
	[tilespmem:$0x10200] =	vst v63  }
0x150: {  	[tilespmem:s21], [sflag:$0x4] =	stream.linear.gather [hbm4b:s22+s1], $0x80, $0x38;
	[tilespmem:$0x10200] =	vst v63  }
0x151: {  	_ =	swait.ge [sflag:s12], $0x4000  }
0x152: {  	[sflag:s12] =	ssyncset.done $0x0  }
0x153: {  	[sflag:s12] =	ssyncadd.s32 $0xFFFFC000  }
0x154: {  	_ =	swait.ge [sflag:s13], $0x4000  }
0x155: {  	[sflag:s13] =	ssyncset.done $0x0  }
0x156: {  	[sflag:s13] =	ssyncadd.s32 $0xFFFFC000  }
0x157: {  	_ =	swait.ge [sflag:s14], $0x4000  }
0x158: {  	[sflag:s14] =	ssyncset.done $0x0  }
0x159: {  	[sflag:s14] =	ssyncadd.s32 $0xFFFFC000  }
0x15a: {  	_ =	swait.ge [sflag:s15], $0x4000  }
0x15b: {  	[sflag:s15] =	ssyncset.done $0x0  }
0x15c: {  	[sflag:s15] =	ssyncadd.s32 $0xFFFFC000  }
0x15d: {  	[hbm4b:s8+s1] =	stream.linear.scatter [tilespmem:s16], [sflag:$0x5], $0x8000, $0x38;
	[tilespmem:$0x10200] =	vst v63  }
0x15e: {  	s18 =	sadd.s32 $0x1, s18;
	_ =	swait.ge [sflag:s11], $0x8000  }
0x15f: {  	p0 =	sne.s32 s18, s10;
	[sflag:s11] =	ssyncset.done $0x0  }
.Ltmp2:
0x160: {  	[sflag:s11] =	ssyncadd.s32 $0xFFFF8000;
	(pc) =	sbr.rel @p0 .LBB2_1-.Ltmp2, $4  }
0x161: {  	[hbm4b:s9+s1] =	stream.linear.scatter [tilespmem:s17], [sflag:$0x5], $0x8000, $0x38;
	[tilespmem:$0x10200] =	vst v63  }
0x162: {  	_ =	swait.ge [sflag:s11], $0x8000  }
0x163: {  	[sflag:s11] =	ssyncset.done $0x0  }
0x164: {  	[sflag:s11] =	ssyncadd.s32 $0xFFFF8000  }
0x165: {  	_ =	sfence.sel $0x180000  }
0x166: {  	[bflag:$0x0] =	sbarrier.arrive $0xFFFF  }
0x167: {  	p0 =	sne.s32 s2, $0x0;
	_ =	strace $0x90000047  }
0x168: {  	s0 =	sadd.s32 @!p0 $0x100000, s0;
	[bflag:$0x2] =	sbarrier.arrive $0xFFFF  }
0x169: {  	[sflag:s0] =	ssyncadd.tile.s32 @!p0 $0x1;
	_ =	shalt  }
.Lfunc_end2:
_tile_overlayer_lowered:
.L_overlay_start_2:
0x16a: {  	(tag) =	ssettag $0x2  }
0x16b: {  	s0 =	rddreg [dreg:$0x0];
	s2 =	stileid.u32  }
0x16c: {  	s1 =	rddreg [dreg:$0x1];
	p0 =	sne.s32 s2, $0x0  }
0x16d: {  	s3 =	rddreg [dreg:$0x2];
	[bflag:$0x3] =	sbarrier.arrive $0xFFFF;
	s2 =	simm.s32 @!p0 $0x1C05  }
0x16e: {  	[timem:s3], [sflag:s2] =	dma.local @!p0 [hbm:s0], s1  }
0x16f: {  	s0 =	simm.s32 @!p0 $0x5  }
0x170: {  	_ =	swait.ge @!p0 [sflag:s0], s1  }
0x171: {  	s1 =	ssub.s32 @!p0 $0x0, s1;
	[sflag:s0] =	ssyncset.done @!p0 $0x0  }
0x172: {  	[sflag:s0] =	ssyncadd.s32 @!p0 s1  }
0x173: {  	[bflag:$0x3] =	sbarrier.arrive $0xFFFF  }
0x174: {  	_ =	shalt  }

</sc_bundles>
